<compile_context>
chip_gen: v7x
topology: tpu7x:2x2x1
jax: 0.10.2.dev20260603
libtpu: 0.0.44.dev20260713+nightly
codegen_flags: <defaults>
</compile_context>

<pallas_src>
import functools

import jax
import jax.numpy as jnp
from jax import lax
from jax.experimental import pallas as pl
from jax.experimental.pallas import tpu as pltpu
from jax.experimental.pallas import tpu_sc as plsc

N, D, H, O, E, K = 2048, 768, 768, 768, 8, 2
BM = 256
BMM = 512
T = (N * K) // BMM
S = T + E - 1
NW = 32
SLOTS = N * K


def _gating_body(x_ref, wg_ref, bg_ref, ww_ref, i_ref):
    xv = x_ref[...]
    logits = jnp.dot(xv, wg_ref[...],
                     preferred_element_type=jnp.float32) + bg_ref[...]
    cols = lax.broadcasted_iota(jnp.int32, logits.shape, 1)
    m1 = jnp.max(logits, axis=-1, keepdims=True)
    i1 = jnp.min(jnp.where(logits == m1, cols, E), axis=-1, keepdims=True)
    l2 = jnp.where(cols == i1, -jnp.inf, logits)
    m2 = jnp.max(l2, axis=-1, keepdims=True)
    i2 = jnp.min(jnp.where(l2 == m2, cols, E), axis=-1, keepdims=True)
    e2 = jnp.exp(m2 - m1)
    denom = 1.0 + e2
    ww_ref[...] = jnp.concatenate([1.0 / denom, e2 / denom], axis=-1)
    i_ref[...] = jnp.concatenate([i1, i2], axis=-1)


def _gating(x, Wg, bg):
    return pl.pallas_call(
        _gating_body,
        grid=(N // BMM,),
        in_specs=[
            pl.BlockSpec((BMM, D), lambda i: (i, 0)),
            pl.BlockSpec((D, E), lambda i: (0, 0)),
            pl.BlockSpec((1, E), lambda i: (0, 0)),
        ],
        out_specs=[
            pl.BlockSpec((BMM, K), lambda i: (i, 0)),
            pl.BlockSpec((BMM, K), lambda i: (i, 0)),
        ],
        out_shape=[
            jax.ShapeDtypeStruct((N, K), jnp.float32),
            jax.ShapeDtypeStruct((N, K), jnp.int32),
        ],
    )(x, Wg, bg.reshape(1, E))


_RROWS = SLOTS // 128


def _rank_body(e_ref, pos_ref, t_ref, eo_ref, lo_ref, hi_ref):
    f32 = jnp.float32
    ef = e_ref[...]
    lane_tri = (lax.broadcasted_iota(jnp.int32, (128, 128), 0)
                <= lax.broadcasted_iota(jnp.int32, (128, 128), 1)
                ).astype(f32)
    row_strict = (lax.broadcasted_iota(jnp.int32, (_RROWS, _RROWS), 1)
                  < lax.broadcasted_iota(jnp.int32, (_RROWS, _RROWS), 0)
                  ).astype(f32)

    pos = jnp.zeros((_RROWS, 128), f32)
    off = 0.0
    offs_e, offs_i = [], []
    for e in range(E):
        m = (ef == e).astype(f32)
        lane_pref = jnp.dot(m, lane_tri, preferred_element_type=f32)
        rt = jnp.sum(m, axis=1, keepdims=True)
        row_pe = jnp.dot(row_strict, rt, preferred_element_type=f32)
        rank0 = lane_pref + row_pe - 1.0
        offs_e.append(off)
        pos = pos + m * (off + rank0)
        off = off + jnp.sum(rt)
        offs_i.append(off)
    pos_ref[...] = pos.astype(jnp.int32)

    off_e_row = jnp.stack(offs_e).reshape(1, E)
    off_i_row = jnp.stack(offs_i).reshape(1, E)
    off_e_col = jnp.stack(offs_e).reshape(E, 1)
    off_i_col = jnp.stack(offs_i).reshape(E, 1)

    tcol = lax.broadcasted_iota(jnp.int32, (T, 1), 0).astype(f32)
    incl_a = (jnp.minimum((tcol + 1.0) * BMM, off_i_row)
              > jnp.maximum(tcol * BMM, off_e_row)).astype(f32)
    nsteps = jnp.sum(incl_a, axis=1, keepdims=True)
    l16s = (lax.broadcasted_iota(jnp.int32, (T, T), 1)
            < lax.broadcasted_iota(jnp.int32, (T, T), 0)).astype(f32)
    csteps = jnp.dot(l16s, nsteps, preferred_element_type=f32)

    s_row = lax.broadcasted_iota(jnp.int32, (1, S), 1).astype(f32)
    t_s = jnp.sum((csteps <= s_row).astype(f32), axis=0, keepdims=True) - 1.0
    onehot_t = (lax.broadcasted_iota(jnp.int32, (T, S), 0).astype(f32) == t_s).astype(f32)
    cst_s = jnp.sum(onehot_t * csteps, axis=0, keepdims=True)
    nst_s = jnp.sum(onehot_t * nsteps, axis=0, keepdims=True)
    j = jnp.minimum(s_row - cst_s, jnp.maximum(nst_s - 1.0, 0.0))

    trow = lax.broadcasted_iota(jnp.int32, (1, T), 1).astype(f32)
    incl_b = (jnp.minimum((trow + 1.0) * BMM, off_i_col)
              > jnp.maximum(trow * BMM, off_e_col)).astype(f32)
    l8i = (lax.broadcasted_iota(jnp.int32, (E, E), 1)
           <= lax.broadcasted_iota(jnp.int32, (E, E), 0)).astype(f32)
    cc_b = jnp.dot(l8i, incl_b, preferred_element_type=f32)
    cc_sel = jnp.dot(cc_b, onehot_t, preferred_element_type=f32)
    e_s = jnp.sum((cc_sel <= j).astype(f32), axis=0, keepdims=True)
    e_s = jnp.minimum(e_s, float(E - 1))
    onehot_e = (lax.broadcasted_iota(jnp.int32, (E, S), 0).astype(f32) == e_s).astype(f32)
    osel_e = jnp.sum(onehot_e * off_e_col, axis=0, keepdims=True)
    osel_i = jnp.sum(onehot_e * off_i_col, axis=0, keepdims=True)
    lo_s = jnp.maximum(t_s * BMM, osel_e)
    hi_s = jnp.minimum((t_s + 1.0) * BMM, osel_i)
    total_steps = jnp.sum(nsteps)
    padm = s_row >= total_steps
    lo_s = jnp.where(padm, 0.0, lo_s)
    hi_s = jnp.where(padm, 0.0, hi_s)

    t_ref[...] = t_s.astype(jnp.int32)
    eo_ref[...] = e_s.astype(jnp.int32)
    lo_ref[...] = lo_s.astype(jnp.int32)
    hi_ref[...] = hi_s.astype(jnp.int32)


def _rank(e2d):
    return pl.pallas_call(
        _rank_body,
        out_shape=[
            jax.ShapeDtypeStruct((_RROWS, 128), jnp.int32),
            jax.ShapeDtypeStruct((1, S), jnp.int32),
            jax.ShapeDtypeStruct((1, S), jnp.int32),
            jax.ShapeDtypeStruct((1, S), jnp.int32),
            jax.ShapeDtypeStruct((1, S), jnp.int32),
        ],
    )(e2d)


def _sc_dispatch(x, pos0, pos1):
    ptok = N // NW
    pslot = SLOTS // NW
    mesh = plsc.VectorSubcoreMesh(core_axis_name="c", subcore_axis_name="s")

    @functools.partial(
        pl.kernel, mesh=mesh,
        out_type=jax.ShapeDtypeStruct((SLOTS, D), jnp.float32),
        scratch_types=[
            pltpu.VMEM((ptok, D), jnp.float32),
            pltpu.VMEM((ptok,), jnp.int32),
            pltpu.VMEM((ptok,), jnp.int32),
            pltpu.SemaphoreType.DMA,
            pltpu.SemaphoreType.DMA,
            pltpu.SemaphoreType.DMA,
        ],
    )
    def k(x_hbm, p0_hbm, p1_hbm, xs_hbm, xv, pv0, pv1, s0, s1, s2):
        wid = lax.axis_index("s") * 2 + lax.axis_index("c")
        bt = wid * ptok
        c0 = pltpu.async_copy(p0_hbm.at[pl.ds(bt, ptok)], pv0, s0)
        c1 = pltpu.async_copy(p1_hbm.at[pl.ds(bt, ptok)], pv1, s1)
        c2 = pltpu.async_copy(x_hbm.at[pl.ds(bt, ptok)], xv, s2)
        c0.wait()
        c1.wait()
        c2.wait()
        d0 = pltpu.async_copy(xv, xs_hbm.at[pv0], s0)
        d1 = pltpu.async_copy(xv, xs_hbm.at[pv1], s1)
        d0.wait()
        d1.wait()

    return k(x, pos0, pos1)


def _mlp_body(tile_s, exp_s, lo_s, hi_s,
              xs_ref, w1_ref, b1_ref, w2_ref, b2_ref, out_ref):
    s = pl.program_id(0)
    lo, hi = lo_s[s], hi_s[s]

    @pl.when(hi > lo)
    def _():
        xb = xs_ref[...].astype(jnp.bfloat16)
        h = jnp.dot(xb, w1_ref[0].astype(jnp.bfloat16),
                    preferred_element_type=jnp.float32)
        h = jnp.maximum(h + b1_ref[0], 0.0).astype(jnp.bfloat16)
        y = jnp.dot(h, w2_ref[0].astype(jnp.bfloat16),
                    preferred_element_type=jnp.float32)
        y = y + b2_ref[0]
        base = tile_s[s] * BMM
        rows = base + lax.broadcasted_iota(jnp.int32, (BMM, 1), 0)
        mask = (rows >= lo) & (rows < hi)
        out_ref[...] = jnp.where(mask, y, out_ref[...])


def _mlp_grouped(xs, W1, b1, W2, b2, tile_s, exp_s, lo_s, hi_s):
    grid_spec = pltpu.PrefetchScalarGridSpec(
        num_scalar_prefetch=4,
        grid=(S,),
        in_specs=[
            pl.BlockSpec((BMM, D), lambda s, t, e, lo, hi: (t[s], 0)),
            pl.BlockSpec((1, D, H), lambda s, t, e, lo, hi: (e[s], 0, 0)),
            pl.BlockSpec((1, 1, H), lambda s, t, e, lo, hi: (e[s], 0, 0)),
            pl.BlockSpec((1, H, O), lambda s, t, e, lo, hi: (e[s], 0, 0)),
            pl.BlockSpec((1, 1, O), lambda s, t, e, lo, hi: (e[s], 0, 0)),
        ],
        out_specs=pl.BlockSpec((BMM, O), lambda s, t, e, lo, hi: (t[s], 0)),
    )
    return pl.pallas_call(
        _mlp_body,
        grid_spec=grid_spec,
        out_shape=jax.ShapeDtypeStruct((SLOTS, O), jnp.float32),
    )(tile_s, exp_s, lo_s, hi_s, xs, W1, b1.reshape(E, 1, H), W2,
      b2.reshape(E, 1, O))


def _sc_combine_gather(ys, posI):
    pslot = SLOTS // NW
    mesh = plsc.VectorSubcoreMesh(core_axis_name="c", subcore_axis_name="s")

    @functools.partial(
        pl.kernel, mesh=mesh,
        out_type=jax.ShapeDtypeStruct((SLOTS, O), jnp.float32),
        scratch_types=[
            pltpu.VMEM((pslot,), jnp.int32),
            pltpu.VMEM((pslot, O), jnp.float32),
            pltpu.SemaphoreType.DMA,
        ],
    )
    def k(ys_hbm, pi_hbm, g_hbm, pvi, rows_v, sem):
        wid = lax.axis_index("s") * 2 + lax.axis_index("c")
        bs = wid * pslot
        pltpu.sync_copy(pi_hbm.at[pl.ds(bs, pslot)], pvi)
        pltpu.async_copy(ys_hbm.at[pvi], rows_v, sem).wait()
        pltpu.sync_copy(rows_v, g_hbm.at[pl.ds(bs, pslot)])

    return k(ys, posI)


def _add_body(g_ref, w_ref, o_ref):
    o_ref[...] = (w_ref[:, 0:1] * g_ref[:, :O]
                  + w_ref[:, 1:2] * g_ref[:, O:])


def _pair_add(g2, gate_w):
    return pl.pallas_call(
        _add_body,
        grid=(N // BMM,),
        in_specs=[pl.BlockSpec((BMM, K * O), lambda i: (i, 0)),
                  pl.BlockSpec((BMM, K), lambda i: (i, 0))],
        out_specs=pl.BlockSpec((BMM, O), lambda i: (i, 0)),
        out_shape=jax.ShapeDtypeStruct((N, O), jnp.float32),
    )(g2, gate_w)


def kernel(x, Wg, bg, W1, b1, W2, b2):
    gate_w, gate_i = _gating(x, Wg, bg)
    pos2d, t_s, e_s, lo_s, hi_s = _rank(gate_i.reshape(_RROWS, 128))
    posI = pos2d.reshape(SLOTS)
    posnk = pos2d.reshape(N, K)
    xs = _sc_dispatch(x, posnk[:, 0], posnk[:, 1])
    ys = _mlp_grouped(xs, W1, b1, W2, b2,
                      t_s.reshape(S), e_s.reshape(S),
                      lo_s.reshape(S), hi_s.reshape(S))
    g = _sc_combine_gather(ys, posI)
    return _pair_add(g.reshape(N, K * O), gate_w)
    posI = pos2d.reshape(SLOTS)
    posnk = pos2d.reshape(N, K)

    xs = _sc_dispatch(x, posnk[:, 0], posnk[:, 1])
    ys = _mlp_grouped(xs, W1, b1, W2, b2,
                      t_s.reshape(S), e_s.reshape(S),
                      lo_s.reshape(S), hi_s.reshape(S))

    g = _sc_combine_gather(ys, posI)
    return _pair_add(g.reshape(N, K, O), gate_w)

# --- scband reference (transcript-rebuilt; emitter-appended) ---
"""Pipeline reference for scband-sparse-mo-e-64080912056582 (READ-ONLY COPY).

The authoritative reference and input builder live on the scoring server;
editing this copy changes nothing except your own understanding.
"""

import jax, jax.numpy as jnp
import numpy as np

N, D, H, O, E, K = 2048, 768, 768, 768, 8, 2

def setup_inputs(seed: int = 0) -> dict:
    key = jax.random.key(seed)
    ks = jax.random.split(key, 7)
    s_in = 1.0 / np.sqrt(D)
    s_h = 1.0 / np.sqrt(H)
    x = jax.random.normal(ks[0], (N, D), dtype=jnp.float32)
    Wg = jax.random.uniform(ks[1], (D, E), minval=-s_in, maxval=s_in, dtype=jnp.float32)
    bg = jax.random.uniform(ks[2], (E,), minval=-s_in, maxval=s_in, dtype=jnp.float32)
    W1 = jax.random.uniform(ks[3], (E, D, H), minval=-s_in, maxval=s_in, dtype=jnp.float32)
    b1 = jax.random.uniform(ks[4], (E, H), minval=-s_in, maxval=s_in, dtype=jnp.float32)
    W2 = jax.random.uniform(ks[5], (E, H, O), minval=-s_h, maxval=s_h, dtype=jnp.float32)
    b2 = jax.random.uniform(ks[6], (E, O), minval=-s_h, maxval=s_h, dtype=jnp.float32)
    return {"x": x, "Wg": Wg, "bg": bg, "W1": W1, "b1": b1, "W2": W2, "b2": b2}

def reference(x, Wg, bg, W1, b1, W2, b2):
    # gate
    gate_logits = x @ Wg + bg
    weights, indices = jax.lax.top_k(gate_logits, K)
    weights = jax.nn.softmax(weights, axis=-1)
    # compute every expert MLP on every token, then gather the selected one per slot
    # (mathematically identical to the per-token dispatch in the torch code)
    h = jax.nn.relu(jnp.einsum('nd,edh->enh', x, W1) + b1[:, None, :])
    out_all = jnp.einsum('enh,eho->eno', h, W2) + b2[:, None, :]  # [E, N, O]
    n_idx = jnp.arange(x.shape[0])
    slots = [out_all[indices[:, i], n_idx] for i in range(K)]  # each [N, O]
    expert_outputs = jnp.stack(slots, axis=1)  # [N, K, O]
    output = jnp.sum(weights[..., None] * expert_outputs, axis=1)
    return output

if __name__ == "__main__":
    import jax
    _d = setup_inputs()
    print(jax.jit(kernel)(*tuple(_d.values())))

</pallas_src>

<mosaic_0001>
#map = affine_map<(d0, d1) -> (0, 0)>
#map1 = affine_map<(d0, d1) -> (0)>
module attributes {stable_mosaic.version = 14 : i64} {
  func.func @k(%arg0: i32, %arg1: i32, %arg2: memref<4096x768xf32, #tpu.memory_space<hbm>>, %arg3: memref<4096xi32, #tpu.memory_space<hbm>>, %arg4: memref<4096x768xf32, #tpu.memory_space<hbm>>, %arg5: memref<128xi32, #tpu.memory_space<vmem>>, %arg6: memref<128x768xf32, #tpu.memory_space<vmem>>, %arg7: memref<!tpu.dma_semaphore, #tpu.memory_space<semaphore_mem>>) attributes {dimension_semantics = [#tpu.dimension_semantics<core_parallel>, #tpu.dimension_semantics<subcore_parallel>], iteration_bounds = array<i64: 2, 16>, scalar_prefetch = 0 : i64, scratch_operands = 3 : i64, tpu.core_type = #tpu.core_type<sc_vector_subcore>, window_params = [{transform_indices = #map}, {transform_indices = #map1}, {transform_indices = #map}]} {
    %mul3A = arith.constant 2 : i32
    %mul3A_0 = arith.muli %arg1, %mul3A : i32
    %add3A = arith.addi %mul3A_0, %arg0 : i32
    %mul3A_1 = arith.constant 128 : i32
    %mul3A_2 = arith.muli %add3A, %mul3A_1 : i32
    "tpu.region"() ({
      %run_scoped3A = tpu.sem_alloc : memref<!tpu.dma_semaphore, #tpu.memory_space<semaphore_mem>>
      %dma_start3A_7 = tpu.memref_slice %arg3[%mul3A_2] : memref<4096xi32, #tpu.memory_space<hbm>> -> memref<128xi32, #tpu.memory_space<hbm>>
      %dma_start3A_8 = tpu.memref_slice %arg3[%mul3A_2] : memref<4096xi32, #tpu.memory_space<hbm>> -> memref<128xi32, #tpu.memory_space<hbm>>
      tpu.enqueue_dma source(%dma_start3A_8 : memref<128xi32, #tpu.memory_space<hbm>>) target(%arg5 : memref<128xi32, #tpu.memory_space<vmem>>) target_semaphore(%run_scoped3A : memref<!tpu.dma_semaphore, #tpu.memory_space<semaphore_mem>>)
      %dma_wait3A_9 = tpu.memref_slice %arg3[%mul3A_2] : memref<4096xi32, #tpu.memory_space<hbm>> -> memref<128xi32, #tpu.memory_space<hbm>>
      %dma_wait3A_10 = tpu.memref_slice %arg3[%mul3A_2] : memref<4096xi32, #tpu.memory_space<hbm>> -> memref<128xi32, #tpu.memory_space<hbm>>
      tpu.wait_dma2 semaphore(%run_scoped3A : memref<!tpu.dma_semaphore, #tpu.memory_space<semaphore_mem>>) src(%dma_wait3A_10 : memref<128xi32, #tpu.memory_space<hbm>>) dst(%arg5 : memref<128xi32, #tpu.memory_space<vmem>>)
      tpu.yield
    }) : () -> ()
    %dma_start3A = arith.constant 0 : i32
    %dma_start3A_3 = arith.constant 0 : i32
    %dma_start3A_4 = tpu.memref_slice %arg2[%dma_start3A, %dma_start3A_3] : memref<4096x768xf32, #tpu.memory_space<hbm>> -> memref<4096x768xf32, #tpu.memory_space<hbm>>
    tpu.enqueue_indirect_dma source(%dma_start3A_4 : memref<4096x768xf32, #tpu.memory_space<hbm>>) target(%arg6 : memref<128x768xf32, #tpu.memory_space<vmem>>) offsets(%arg5 : memref<128xi32, #tpu.memory_space<vmem>>) semaphore(%arg7 : memref<!tpu.dma_semaphore, #tpu.memory_space<semaphore_mem>>)
    %dma_wait3A = arith.constant 0 : i32
    %dma_wait3A_5 = arith.constant 0 : i32
    %dma_wait3A_6 = tpu.memref_slice %arg2[%dma_wait3A, %dma_wait3A_5] : memref<4096x768xf32, #tpu.memory_space<hbm>> -> memref<4096x768xf32, #tpu.memory_space<hbm>>
    tpu.wait_indirect_dma semaphore(%arg7 : memref<!tpu.dma_semaphore, #tpu.memory_space<semaphore_mem>>) src(%dma_wait3A_6 : memref<4096x768xf32, #tpu.memory_space<hbm>>) dst(%arg6 : memref<128x768xf32, #tpu.memory_space<vmem>>)
    "tpu.region"() ({
      %run_scoped3A = tpu.sem_alloc : memref<!tpu.dma_semaphore, #tpu.memory_space<semaphore_mem>>
      %dma_start3A_7 = arith.constant 0 : i32
      %dma_start3A_8 = tpu.memref_slice %arg4[%mul3A_2, %dma_start3A_7] : memref<4096x768xf32, #tpu.memory_space<hbm>> -> memref<128x768xf32, #tpu.memory_space<hbm>>
      %dma_start3A_9 = arith.constant 0 : i32
      %dma_start3A_10 = tpu.memref_slice %arg4[%mul3A_2, %dma_start3A_9] : memref<4096x768xf32, #tpu.memory_space<hbm>> -> memref<128x768xf32, #tpu.memory_space<hbm>>
      tpu.enqueue_dma source(%arg6 : memref<128x768xf32, #tpu.memory_space<vmem>>) target(%dma_start3A_10 : memref<128x768xf32, #tpu.memory_space<hbm>>) target_semaphore(%run_scoped3A : memref<!tpu.dma_semaphore, #tpu.memory_space<semaphore_mem>>)
      %dma_wait3A_11 = arith.constant 0 : i32
      %dma_wait3A_12 = tpu.memref_slice %arg4[%mul3A_2, %dma_wait3A_11] : memref<4096x768xf32, #tpu.memory_space<hbm>> -> memref<128x768xf32, #tpu.memory_space<hbm>>
      %dma_wait3A_13 = arith.constant 0 : i32
      %dma_wait3A_14 = tpu.memref_slice %arg4[%mul3A_2, %dma_wait3A_13] : memref<4096x768xf32, #tpu.memory_space<hbm>> -> memref<128x768xf32, #tpu.memory_space<hbm>>
      tpu.wait_dma2 semaphore(%run_scoped3A : memref<!tpu.dma_semaphore, #tpu.memory_space<semaphore_mem>>) src(%arg6 : memref<128x768xf32, #tpu.memory_space<vmem>>) dst(%dma_wait3A_14 : memref<128x768xf32, #tpu.memory_space<hbm>>)
      tpu.yield
    }) : () -> ()
    return
  }
}

#map = affine_map<(d0, d1) -> (0, 0)>
#map1 = affine_map<(d0, d1) -> (0)>
module attributes {stable_mosaic.version = 14 : i64} {
  func.func @k(%arg0: i32, %arg1: i32, %arg2: memref<2048x768xf32, #tpu.memory_space<hbm>>, %arg3: memref<2048xi32, #tpu.memory_space<hbm>>, %arg4: memref<2048xi32, #tpu.memory_space<hbm>>, %arg5: memref<4096x768xf32, #tpu.memory_space<hbm>>, %arg6: memref<64x768xf32, #tpu.memory_space<vmem>>, %arg7: memref<64xi32, #tpu.memory_space<vmem>>, %arg8: memref<64xi32, #tpu.memory_space<vmem>>, %arg9: memref<!tpu.dma_semaphore, #tpu.memory_space<semaphore_mem>>, %arg10: memref<!tpu.dma_semaphore, #tpu.memory_space<semaphore_mem>>, %arg11: memref<!tpu.dma_semaphore, #tpu.memory_space<semaphore_mem>>) attributes {dimension_semantics = [#tpu.dimension_semantics<core_parallel>, #tpu.dimension_semantics<subcore_parallel>], iteration_bounds = array<i64: 2, 16>, scalar_prefetch = 0 : i64, scratch_operands = 6 : i64, tpu.core_type = #tpu.core_type<sc_vector_subcore>, window_params = [{transform_indices = #map}, {transform_indices = #map1}, {transform_indices = #map1}, {transform_indices = #map}]} {
    %mul3A = arith.constant 2 : i32
    %mul3A_0 = arith.muli %arg1, %mul3A : i32
    %add3A = arith.addi %mul3A_0, %arg0 : i32
    %mul3A_1 = arith.constant 64 : i32
    %mul3A_2 = arith.muli %add3A, %mul3A_1 : i32
    %dma_start3A = tpu.memref_slice %arg3[%mul3A_2] : memref<2048xi32, #tpu.memory_space<hbm>> -> memref<64xi32, #tpu.memory_space<hbm>>
    %dma_start3A_3 = tpu.memref_slice %arg3[%mul3A_2] : memref<2048xi32, #tpu.memory_space<hbm>> -> memref<64xi32, #tpu.memory_space<hbm>>
    tpu.enqueue_dma source(%dma_start3A_3 : memref<64xi32, #tpu.memory_space<hbm>>) target(%arg7 : memref<64xi32, #tpu.memory_space<vmem>>) target_semaphore(%arg9 : memref<!tpu.dma_semaphore, #tpu.memory_space<semaphore_mem>>)
    %dma_start3A_4 = tpu.memref_slice %arg4[%mul3A_2] : memref<2048xi32, #tpu.memory_space<hbm>> -> memref<64xi32, #tpu.memory_space<hbm>>
    %dma_start3A_5 = tpu.memref_slice %arg4[%mul3A_2] : memref<2048xi32, #tpu.memory_space<hbm>> -> memref<64xi32, #tpu.memory_space<hbm>>
    tpu.enqueue_dma source(%dma_start3A_5 : memref<64xi32, #tpu.memory_space<hbm>>) target(%arg8 : memref<64xi32, #tpu.memory_space<vmem>>) target_semaphore(%arg10 : memref<!tpu.dma_semaphore, #tpu.memory_space<semaphore_mem>>)
    %dma_start3A_6 = arith.constant 0 : i32
    %dma_start3A_7 = tpu.memref_slice %arg2[%mul3A_2, %dma_start3A_6] : memref<2048x768xf32, #tpu.memory_space<hbm>> -> memref<64x768xf32, #tpu.memory_space<hbm>>
    %dma_start3A_8 = arith.constant 0 : i32
    %dma_start3A_9 = tpu.memref_slice %arg2[%mul3A_2, %dma_start3A_8] : memref<2048x768xf32, #tpu.memory_space<hbm>> -> memref<64x768xf32, #tpu.memory_space<hbm>>
    tpu.enqueue_dma source(%dma_start3A_9 : memref<64x768xf32, #tpu.memory_space<hbm>>) target(%arg6 : memref<64x768xf32, #tpu.memory_space<vmem>>) target_semaphore(%arg11 : memref<!tpu.dma_semaphore, #tpu.memory_space<semaphore_mem>>)
    %dma_wait3A = tpu.memref_slice %arg3[%mul3A_2] : memref<2048xi32, #tpu.memory_space<hbm>> -> memref<64xi32, #tpu.memory_space<hbm>>
    %dma_wait3A_10 = tpu.memref_slice %arg3[%mul3A_2] : memref<2048xi32, #tpu.memory_space<hbm>> -> memref<64xi32, #tpu.memory_space<hbm>>
    tpu.wait_dma2 semaphore(%arg9 : memref<!tpu.dma_semaphore, #tpu.memory_space<semaphore_mem>>) src(%dma_wait3A_10 : memref<64xi32, #tpu.memory_space<hbm>>) dst(%arg7 : memref<64xi32, #tpu.memory_space<vmem>>)
    %dma_wait3A_11 = tpu.memref_slice %arg4[%mul3A_2] : memref<2048xi32, #tpu.memory_space<hbm>> -> memref<64xi32, #tpu.memory_space<hbm>>
    %dma_wait3A_12 = tpu.memref_slice %arg4[%mul3A_2] : memref<2048xi32, #tpu.memory_space<hbm>> -> memref<64xi32, #tpu.memory_space<hbm>>
    tpu.wait_dma2 semaphore(%arg10 : memref<!tpu.dma_semaphore, #tpu.memory_space<semaphore_mem>>) src(%dma_wait3A_12 : memref<64xi32, #tpu.memory_space<hbm>>) dst(%arg8 : memref<64xi32, #tpu.memory_space<vmem>>)
    %dma_wait3A_13 = arith.constant 0 : i32
    %dma_wait3A_14 = tpu.memref_slice %arg2[%mul3A_2, %dma_wait3A_13] : memref<2048x768xf32, #tpu.memory_space<hbm>> -> memref<64x768xf32, #tpu.memory_space<hbm>>
    %dma_wait3A_15 = arith.constant 0 : i32
    %dma_wait3A_16 = tpu.memref_slice %arg2[%mul3A_2, %dma_wait3A_15] : memref<2048x768xf32, #tpu.memory_space<hbm>> -> memref<64x768xf32, #tpu.memory_space<hbm>>
    tpu.wait_dma2 semaphore(%arg11 : memref<!tpu.dma_semaphore, #tpu.memory_space<semaphore_mem>>) src(%dma_wait3A_16 : memref<64x768xf32, #tpu.memory_space<hbm>>) dst(%arg6 : memref<64x768xf32, #tpu.memory_space<vmem>>)
    %dma_start3A_17 = arith.constant 0 : i32
    %dma_start3A_18 = arith.constant 0 : i32
    %dma_start3A_19 = tpu.memref_slice %arg5[%dma_start3A_17, %dma_start3A_18] : memref<4096x768xf32, #tpu.memory_space<hbm>> -> memref<4096x768xf32, #tpu.memory_space<hbm>>
    tpu.enqueue_indirect_dma source(%arg6 : memref<64x768xf32, #tpu.memory_space<vmem>>) target(%dma_start3A_19 : memref<4096x768xf32, #tpu.memory_space<hbm>>) offsets(%arg7 : memref<64xi32, #tpu.memory_space<vmem>>) semaphore(%arg9 : memref<!tpu.dma_semaphore, #tpu.memory_space<semaphore_mem>>)
    %dma_start3A_20 = arith.constant 0 : i32
    %dma_start3A_21 = arith.constant 0 : i32
    %dma_start3A_22 = tpu.memref_slice %arg5[%dma_start3A_20, %dma_start3A_21] : memref<4096x768xf32, #tpu.memory_space<hbm>> -> memref<4096x768xf32, #tpu.memory_space<hbm>>
    tpu.enqueue_indirect_dma source(%arg6 : memref<64x768xf32, #tpu.memory_space<vmem>>) target(%dma_start3A_22 : memref<4096x768xf32, #tpu.memory_space<hbm>>) offsets(%arg8 : memref<64xi32, #tpu.memory_space<vmem>>) semaphore(%arg10 : memref<!tpu.dma_semaphore, #tpu.memory_space<semaphore_mem>>)
    %dma_wait3A_23 = arith.constant 0 : i32
    %dma_wait3A_24 = arith.constant 0 : i32
    %dma_wait3A_25 = tpu.memref_slice %arg5[%dma_wait3A_23, %dma_wait3A_24] : memref<4096x768xf32, #tpu.memory_space<hbm>> -> memref<4096x768xf32, #tpu.memory_space<hbm>>
    tpu.wait_indirect_dma semaphore(%arg9 : memref<!tpu.dma_semaphore, #tpu.memory_space<semaphore_mem>>) src(%arg6 : memref<64x768xf32, #tpu.memory_space<vmem>>) dst(%dma_wait3A_25 : memref<4096x768xf32, #tpu.memory_space<hbm>>)
    %dma_wait3A_26 = arith.constant 0 : i32
    %dma_wait3A_27 = arith.constant 0 : i32
    %dma_wait3A_28 = tpu.memref_slice %arg5[%dma_wait3A_26, %dma_wait3A_27] : memref<4096x768xf32, #tpu.memory_space<hbm>> -> memref<4096x768xf32, #tpu.memory_space<hbm>>
    tpu.wait_indirect_dma semaphore(%arg10 : memref<!tpu.dma_semaphore, #tpu.memory_space<semaphore_mem>>) src(%arg6 : memref<64x768xf32, #tpu.memory_space<vmem>>) dst(%dma_wait3A_28 : memref<4096x768xf32, #tpu.memory_space<hbm>>)
    return
  }
}

module attributes {stable_mosaic.version = 14 : i64} {
  func.func @_gating_body(%arg0: i32, %arg1: memref<512x768xf32, #tpu.memory_space<vmem>>, %arg2: memref<768x8xf32, #tpu.memory_space<vmem>>, %arg3: memref<1x8xf32, #tpu.memory_space<vmem>>, %arg4: memref<512x2xf32, #tpu.memory_space<vmem>>, %arg5: memref<512x2xi32, #tpu.memory_space<vmem>>) attributes {dimension_semantics = [#tpu.dimension_semantics<arbitrary>], iteration_bounds = array<i64: 4>, scalar_prefetch = 0 : i64, scratch_operands = 0 : i64, tpu.core_type = #tpu.core_type<tc>, window_params = [{transform_indices = @transform_0, window_bounds = array<i64: 512, 768>}, {pipeline_mode = #tpu.pipeline_mode<synchronous>, transform_indices = @transform_1, window_bounds = array<i64: 768, 8>}, {pipeline_mode = #tpu.pipeline_mode<synchronous>, transform_indices = @transform_2, window_bounds = array<i64: 1, 8>}, {transform_indices = @transform_3, window_bounds = array<i64: 512, 2>}, {transform_indices = @transform_4, window_bounds = array<i64: 512, 2>}]} {
    %get3A = arith.constant 0 : index
    %get3A_0 = arith.constant 0 : index
    %get3A_1 = vector.load %arg1[%get3A, %get3A_0] : memref<512x768xf32, #tpu.memory_space<vmem>>, vector<512x768xf32>
    %get3A_2 = arith.constant 0 : index
    %get3A_3 = arith.constant 0 : index
    %get3A_4 = vector.load %arg2[%get3A_2, %get3A_3] : memref<768x8xf32, #tpu.memory_space<vmem>>, vector<768x8xf32>
    %dot_general3A = arith.constant dense<0.000000e+00> : vector<512x8xf32>
    %dot_general3A_5 = tpu.matmul %get3A_1, %get3A_4, %dot_general3A {dimension_numbers = #tpu.dot_dimension_numbers<[1], [0], [0], [1], [0, 0, 1, 1], [], []>, transpose_lhs_hint = false} : vector<512x768xf32>, vector<768x8xf32>, vector<512x8xf32> -> vector<512x8xf32>
    %get3A_6 = arith.constant 0 : index
    %get3A_7 = arith.constant 0 : index
    %get3A_8 = vector.load %arg3[%get3A_6, %get3A_7] : memref<1x8xf32, #tpu.memory_space<vmem>>, vector<1x8xf32>
    %add3A = vector.broadcast %get3A_8 : vector<1x8xf32> to vector<512x8xf32>
    %add3A_9 = arith.addf %dot_general3A_5, %add3A : vector<512x8xf32>
    %iota3A = tpu.iota {dimensions = array<i32: 1>} : vector<512x8xi32>
    %reduce_max3A = arith.constant dense<0xFF800000> : vector<512xf32>
    %reduce_max3A_10 = vector.multi_reduction <maximumf>, %add3A_9, %reduce_max3A [1] : vector<512x8xf32> to vector<512xf32>
    %broadcast_in_dim3A = vector.shape_cast %reduce_max3A_10 : vector<512xf32> to vector<512x1xf32>
    %eq3A = vector.broadcast %broadcast_in_dim3A : vector<512x1xf32> to vector<512x8xf32>
    %eq3A_11 = arith.cmpf oeq, %add3A_9, %eq3A : vector<512x8xf32>
    %jit3A = arith.constant 8 : i32
    %broadcast_in_dim3A_12 = vector.broadcast %jit3A : i32 to vector<512x8xi32>
    %select_n3A = arith.select %eq3A_11, %iota3A, %broadcast_in_dim3A_12 : vector<512x8xi1>, vector<512x8xi32>
    %reduce_min3A = arith.constant dense<2147483647> : vector<512xi32>
    %reduce_min3A_13 = vector.multi_reduction <minsi>, %select_n3A, %reduce_min3A [1] : vector<512x8xi32> to vector<512xi32>
    %broadcast_in_dim3A_14 = vector.shape_cast %reduce_min3A_13 : vector<512xi32> to vector<512x1xi32>
    %eq3A_15 = vector.broadcast %broadcast_in_dim3A_14 : vector<512x1xi32> to vector<512x8xi32>
    %eq3A_16 = arith.cmpi eq, %iota3A, %eq3A_15 : vector<512x8xi32>
    %jit3A_17 = arith.constant 0xFF800000 : f32
    %broadcast_in_dim3A_18 = vector.broadcast %jit3A_17 : f32 to vector<512x8xf32>
    %select_n3A_19 = arith.select %eq3A_16, %broadcast_in_dim3A_18, %add3A_9 : vector<512x8xi1>, vector<512x8xf32>
    %reduce_max3A_20 = arith.constant dense<0xFF800000> : vector<512xf32>
    %reduce_max3A_21 = vector.multi_reduction <maximumf>, %select_n3A_19, %reduce_max3A_20 [1] : vector<512x8xf32> to vector<512xf32>
    %broadcast_in_dim3A_22 = vector.shape_cast %reduce_max3A_21 : vector<512xf32> to vector<512x1xf32>
    %eq3A_23 = vector.broadcast %broadcast_in_dim3A_22 : vector<512x1xf32> to vector<512x8xf32>
    %eq3A_24 = arith.cmpf oeq, %select_n3A_19, %eq3A_23 : vector<512x8xf32>
    %jit3A_25 = arith.constant 8 : i32
    %broadcast_in_dim3A_26 = vector.broadcast %jit3A_25 : i32 to vector<512x8xi32>
    %select_n3A_27 = arith.select %eq3A_24, %iota3A, %broadcast_in_dim3A_26 : vector<512x8xi1>, vector<512x8xi32>
    %reduce_min3A_28 = arith.constant dense<2147483647> : vector<512xi32>
    %reduce_min3A_29 = vector.multi_reduction <minsi>, %select_n3A_27, %reduce_min3A_28 [1] : vector<512x8xi32> to vector<512xi32>
    %broadcast_in_dim3A_30 = vector.shape_cast %reduce_min3A_29 : vector<512xi32> to vector<512x1xi32>
    %sub3A = arith.subf %broadcast_in_dim3A_22, %broadcast_in_dim3A : vector<512x1xf32>
    %exp3A = math.exp %sub3A : vector<512x1xf32>
    %add3A_31 = arith.constant 1.000000e+00 : f32
    %add3A_32 = vector.broadcast %add3A_31 : f32 to vector<512x1xf32>
    %add3A_33 = arith.addf %add3A_32, %exp3A : vector<512x1xf32>
    %div3A = arith.constant 1.000000e+00 : f32
    %div3A_34 = vector.broadcast %div3A : f32 to vector<512x1xf32>
    %div3A_35 = arith.divf %div3A_34, %add3A_33 : vector<512x1xf32>
    %div3A_36 = arith.divf %exp3A, %add3A_33 : vector<512x1xf32>
    %concatenate3A = tpu.concatenate %div3A_35, %div3A_36 in 1 : vector<512x1xf32>, vector<512x1xf32> -> vector<512x2xf32>
    %swap3A = arith.constant 0 : index
    %swap3A_37 = arith.constant 0 : index
    %swap3A_38 = vector.load %arg4[%swap3A, %swap3A_37] : memref<512x2xf32, #tpu.memory_space<vmem>>, vector<512x2xf32>
    tpu.vector_store %arg4[%swap3A, %swap3A_37], %concatenate3A {strides = array<i32>} : memref<512x2xf32, #tpu.memory_space<vmem>>, vector<512x2xf32>,
    %concatenate3A_39 = tpu.concatenate %broadcast_in_dim3A_14, %broadcast_in_dim3A_30 in 1 : vector<512x1xi32>, vector<512x1xi32> -> vector<512x2xi32>
    %swap3A_40 = arith.constant 0 : index
    %swap3A_41 = arith.constant 0 : index
    %swap3A_42 = vector.load %arg5[%swap3A_40, %swap3A_41] : memref<512x2xi32, #tpu.memory_space<vmem>>, vector<512x2xi32>
    tpu.vector_store %arg5[%swap3A_40, %swap3A_41], %concatenate3A_39 {strides = array<i32>} : memref<512x2xi32, #tpu.memory_space<vmem>>, vector<512x2xi32>,
    return
  }
  func.func @transform_0(%arg0: i32) -> (i32, i32) {
    %c0_i32 = arith.constant 0 : i32
    %c0_i32_0 = arith.constant 0 : i32
    return %arg0, %c0_i32 : i32, i32
  }
  func.func @transform_1(%arg0: i32) -> (i32, i32) {
    %c0_i32 = arith.constant 0 : i32
    %c0_i32_0 = arith.constant 0 : i32
    %c0_i32_1 = arith.constant 0 : i32
    return %c0_i32, %c0_i32_0 : i32, i32
  }
  func.func @transform_2(%arg0: i32) -> (i32, i32) {
    %c0_i32 = arith.constant 0 : i32
    %c0_i32_0 = arith.constant 0 : i32
    %c0_i32_1 = arith.constant 0 : i32
    return %c0_i32, %c0_i32_0 : i32, i32
  }
  func.func @transform_3(%arg0: i32) -> (i32, i32) {
    %c0_i32 = arith.constant 0 : i32
    %c0_i32_0 = arith.constant 0 : i32
    return %arg0, %c0_i32 : i32, i32
  }
  func.func @transform_4(%arg0: i32) -> (i32, i32) {
    %c0_i32 = arith.constant 0 : i32
    %c0_i32_0 = arith.constant 0 : i32
    return %arg0, %c0_i32 : i32, i32
  }
}

module attributes {stable_mosaic.version = 14 : i64} {
  func.func @_rank_body(%arg0: memref<32x128xi32, #tpu.memory_space<vmem>>, %arg1: memref<32x128xi32, #tpu.memory_space<vmem>>, %arg2: memref<1x15xi32, #tpu.memory_space<vmem>>, %arg3: memref<1x15xi32, #tpu.memory_space<vmem>>, %arg4: memref<1x15xi32, #tpu.memory_space<vmem>>, %arg5: memref<1x15xi32, #tpu.memory_space<vmem>>) attributes {dimension_semantics = [], scalar_prefetch = 0 : i64, scratch_operands = 0 : i64, tpu.core_type = #tpu.core_type<tc>} {
    %get3A = arith.constant 0 : index
    %get3A_0 = arith.constant 0 : index
    %get3A_1 = vector.load %arg0[%get3A, %get3A_0] : memref<32x128xi32, #tpu.memory_space<vmem>>, vector<32x128xi32>
    %iota3A = tpu.iota {dimensions = array<i32: 0>} : vector<128x128xi32>
    %iota3A_2 = tpu.iota {dimensions = array<i32: 1>} : vector<128x128xi32>
    %le3A = arith.cmpi sle, %iota3A, %iota3A_2 : vector<128x128xi32>
    %convert_element_type3A = arith.extui %le3A : vector<128x128xi1> to vector<128x128xi32>
    %convert_element_type3A_3 = arith.sitofp %convert_element_type3A : vector<128x128xi32> to vector<128x128xf32>
    %iota3A_4 = tpu.iota {dimensions = array<i32: 1>} : vector<32x32xi32>
    %iota3A_5 = tpu.iota {dimensions = array<i32: 0>} : vector<32x32xi32>
    %lt3A = arith.cmpi slt, %iota3A_4, %iota3A_5 : vector<32x32xi32>
    %convert_element_type3A_6 = arith.extui %lt3A : vector<32x32xi1> to vector<32x32xi32>
    %convert_element_type3A_7 = arith.sitofp %convert_element_type3A_6 : vector<32x32xi32> to vector<32x32xf32>
    %broadcast_in_dim3A = arith.constant 0.000000e+00 : f32
    %broadcast_in_dim3A_8 = vector.broadcast %broadcast_in_dim3A : f32 to vector<32x128xf32>
    %eq3A = arith.constant 0 : i32
    %eq3A_9 = vector.broadcast %eq3A : i32 to vector<32x128xi32>
    %eq3A_10 = arith.cmpi eq, %get3A_1, %eq3A_9 : vector<32x128xi32>
    %convert_element_type3A_11 = arith.extui %eq3A_10 : vector<32x128xi1> to vector<32x128xi32>
    %convert_element_type3A_12 = arith.sitofp %convert_element_type3A_11 : vector<32x128xi32> to vector<32x128xf32>
    %dot_general3A = arith.constant dense<0.000000e+00> : vector<32x128xf32>
    %dot_general3A_13 = tpu.matmul %convert_element_type3A_12, %convert_element_type3A_3, %dot_general3A {dimension_numbers = #tpu.dot_dimension_numbers<[1], [0], [0], [1], [0, 0, 1, 1], [], []>, transpose_lhs_hint = false} : vector<32x128xf32>, vector<128x128xf32>, vector<32x128xf32> -> vector<32x128xf32>
    %reduce_sum3A = arith.constant dense<0.000000e+00> : vector<32xf32>
    %reduce_sum3A_14 = vector.multi_reduction <add>, %convert_element_type3A_12, %reduce_sum3A [1] : vector<32x128xf32> to vector<32xf32>
    %broadcast_in_dim3A_15 = vector.shape_cast %reduce_sum3A_14 : vector<32xf32> to vector<32x1xf32>
    %dot_general3A_16 = arith.constant dense<0.000000e+00> : vector<32x1xf32>
    %dot_general3A_17 = tpu.matmul %convert_element_type3A_7, %broadcast_in_dim3A_15, %dot_general3A_16 {dimension_numbers = #tpu.dot_dimension_numbers<[1], [0], [0], [1], [0, 0, 1, 1], [], []>, transpose_lhs_hint = false} : vector<32x32xf32>, vector<32x1xf32>, vector<32x1xf32> -> vector<32x1xf32>
    %add3A = vector.broadcast %dot_general3A_17 : vector<32x1xf32> to vector<32x128xf32>
    %add3A_18 = arith.addf %dot_general3A_13, %add3A : vector<32x128xf32>
    %sub3A = arith.constant 1.000000e+00 : f32
    %sub3A_19 = vector.broadcast %sub3A : f32 to vector<32x128xf32>
    %sub3A_20 = arith.subf %add3A_18, %sub3A_19 : vector<32x128xf32>
    %add3A_21 = arith.constant 0.000000e+00 : f32
    %add3A_22 = vector.broadcast %add3A_21 : f32 to vector<32x128xf32>
    %add3A_23 = arith.addf %add3A_22, %sub3A_20 : vector<32x128xf32>
    %mul3A = arith.mulf %convert_element_type3A_12, %add3A_23 : vector<32x128xf32>
    %add3A_24 = arith.addf %broadcast_in_dim3A_8, %mul3A : vector<32x128xf32>
    %reduce_sum3A_25 = vector.shape_cast %broadcast_in_dim3A_15 : vector<32x1xf32> to vector<1x32x1xf32>
    %reduce_sum3A_26 = arith.constant dense<0.000000e+00> : vector<1xf32>
    %reduce_sum3A_27 = vector.multi_reduction <add>, %reduce_sum3A_25, %reduce_sum3A_26 [1, 2] : vector<1x32x1xf32> to vector<1xf32>
    %reduce_sum3A_28 = vector.shape_cast %reduce_sum3A_27 : vector<1xf32> to vector<1x1x1xf32>
    %reduce_sum3A_29 = vector.extract %reduce_sum3A_28[0, 0, 0] : f32 from vector<1x1x1xf32>
    %add3A_30 = arith.constant 0.000000e+00 : f32
    %add3A_31 = arith.addf %add3A_30, %reduce_sum3A_29 : f32
    %eq3A_32 = arith.constant 1 : i32
    %eq3A_33 = vector.broadcast %eq3A_32 : i32 to vector<32x128xi32>
    %eq3A_34 = arith.cmpi eq, %get3A_1, %eq3A_33 : vector<32x128xi32>
    %convert_element_type3A_35 = arith.extui %eq3A_34 : vector<32x128xi1> to vector<32x128xi32>
    %convert_element_type3A_36 = arith.sitofp %convert_element_type3A_35 : vector<32x128xi32> to vector<32x128xf32>
    %dot_general3A_37 = arith.constant dense<0.000000e+00> : vector<32x128xf32>
    %dot_general3A_38 = tpu.matmul %convert_element_type3A_36, %convert_element_type3A_3, %dot_general3A_37 {dimension_numbers = #tpu.dot_dimension_numbers<[1], [0], [0], [1], [0, 0, 1, 1], [], []>, transpose_lhs_hint = false} : vector<32x128xf32>, vector<128x128xf32>, vector<32x128xf32> -> vector<32x128xf32>
    %reduce_sum3A_39 = arith.constant dense<0.000000e+00> : vector<32xf32>
    %reduce_sum3A_40 = vector.multi_reduction <add>, %convert_element_type3A_36, %reduce_sum3A_39 [1] : vector<32x128xf32> to vector<32xf32>
    %broadcast_in_dim3A_41 = vector.shape_cast %reduce_sum3A_40 : vector<32xf32> to vector<32x1xf32>
    %dot_general3A_42 = arith.constant dense<0.000000e+00> : vector<32x1xf32>
    %dot_general3A_43 = tpu.matmul %convert_element_type3A_7, %broadcast_in_dim3A_41, %dot_general3A_42 {dimension_numbers = #tpu.dot_dimension_numbers<[1], [0], [0], [1], [0, 0, 1, 1], [], []>, transpose_lhs_hint = false} : vector<32x32xf32>, vector<32x1xf32>, vector<32x1xf32> -> vector<32x1xf32>
    %add3A_44 = vector.broadcast %dot_general3A_43 : vector<32x1xf32> to vector<32x128xf32>
    %add3A_45 = arith.addf %dot_general3A_38, %add3A_44 : vector<32x128xf32>
    %sub3A_46 = arith.constant 1.000000e+00 : f32
    %sub3A_47 = vector.broadcast %sub3A_46 : f32 to vector<32x128xf32>
    %sub3A_48 = arith.subf %add3A_45, %sub3A_47 : vector<32x128xf32>
    %add3A_49 = vector.broadcast %add3A_31 : f32 to vector<32x128xf32>
    %add3A_50 = arith.addf %add3A_49, %sub3A_48 : vector<32x128xf32>
    %mul3A_51 = arith.mulf %convert_element_type3A_36, %add3A_50 : vector<32x128xf32>
    %add3A_52 = arith.addf %add3A_24, %mul3A_51 : vector<32x128xf32>
    %reduce_sum3A_53 = vector.shape_cast %broadcast_in_dim3A_41 : vector<32x1xf32> to vector<1x32x1xf32>
    %reduce_sum3A_54 = arith.constant dense<0.000000e+00> : vector<1xf32>
    %reduce_sum3A_55 = vector.multi_reduction <add>, %reduce_sum3A_53, %reduce_sum3A_54 [1, 2] : vector<1x32x1xf32> to vector<1xf32>
    %reduce_sum3A_56 = vector.shape_cast %reduce_sum3A_55 : vector<1xf32> to vector<1x1x1xf32>
    %reduce_sum3A_57 = vector.extract %reduce_sum3A_56[0, 0, 0] : f32 from vector<1x1x1xf32>
    %add3A_58 = arith.addf %add3A_31, %reduce_sum3A_57 : f32
    %eq3A_59 = arith.constant 2 : i32
    %eq3A_60 = vector.broadcast %eq3A_59 : i32 to vector<32x128xi32>
    %eq3A_61 = arith.cmpi eq, %get3A_1, %eq3A_60 : vector<32x128xi32>
    %convert_element_type3A_62 = arith.extui %eq3A_61 : vector<32x128xi1> to vector<32x128xi32>
    %convert_element_type3A_63 = arith.sitofp %convert_element_type3A_62 : vector<32x128xi32> to vector<32x128xf32>
    %dot_general3A_64 = arith.constant dense<0.000000e+00> : vector<32x128xf32>
    %dot_general3A_65 = tpu.matmul %convert_element_type3A_63, %convert_element_type3A_3, %dot_general3A_64 {dimension_numbers = #tpu.dot_dimension_numbers<[1], [0], [0], [1], [0, 0, 1, 1], [], []>, transpose_lhs_hint = false} : vector<32x128xf32>, vector<128x128xf32>, vector<32x128xf32> -> vector<32x128xf32>
    %reduce_sum3A_66 = arith.constant dense<0.000000e+00> : vector<32xf32>
    %reduce_sum3A_67 = vector.multi_reduction <add>, %convert_element_type3A_63, %reduce_sum3A_66 [1] : vector<32x128xf32> to vector<32xf32>
    %broadcast_in_dim3A_68 = vector.shape_cast %reduce_sum3A_67 : vector<32xf32> to vector<32x1xf32>
    %dot_general3A_69 = arith.constant dense<0.000000e+00> : vector<32x1xf32>
    %dot_general3A_70 = tpu.matmul %convert_element_type3A_7, %broadcast_in_dim3A_68, %dot_general3A_69 {dimension_numbers = #tpu.dot_dimension_numbers<[1], [0], [0], [1], [0, 0, 1, 1], [], []>, transpose_lhs_hint = false} : vector<32x32xf32>, vector<32x1xf32>, vector<32x1xf32> -> vector<32x1xf32>
    %add3A_71 = vector.broadcast %dot_general3A_70 : vector<32x1xf32> to vector<32x128xf32>
    %add3A_72 = arith.addf %dot_general3A_65, %add3A_71 : vector<32x128xf32>
    %sub3A_73 = arith.constant 1.000000e+00 : f32
    %sub3A_74 = vector.broadcast %sub3A_73 : f32 to vector<32x128xf32>
    %sub3A_75 = arith.subf %add3A_72, %sub3A_74 : vector<32x128xf32>
    %add3A_76 = vector.broadcast %add3A_58 : f32 to vector<32x128xf32>
    %add3A_77 = arith.addf %add3A_76, %sub3A_75 : vector<32x128xf32>
    %mul3A_78 = arith.mulf %convert_element_type3A_63, %add3A_77 : vector<32x128xf32>
    %add3A_79 = arith.addf %add3A_52, %mul3A_78 : vector<32x128xf32>
    %reduce_sum3A_80 = vector.shape_cast %broadcast_in_dim3A_68 : vector<32x1xf32> to vector<1x32x1xf32>
    %reduce_sum3A_81 = arith.constant dense<0.000000e+00> : vector<1xf32>
    %reduce_sum3A_82 = vector.multi_reduction <add>, %reduce_sum3A_80, %reduce_sum3A_81 [1, 2] : vector<1x32x1xf32> to vector<1xf32>
    %reduce_sum3A_83 = vector.shape_cast %reduce_sum3A_82 : vector<1xf32> to vector<1x1x1xf32>
    %reduce_sum3A_84 = vector.extract %reduce_sum3A_83[0, 0, 0] : f32 from vector<1x1x1xf32>
    %add3A_85 = arith.addf %add3A_58, %reduce_sum3A_84 : f32
    %eq3A_86 = arith.constant 3 : i32
    %eq3A_87 = vector.broadcast %eq3A_86 : i32 to vector<32x128xi32>
    %eq3A_88 = arith.cmpi eq, %get3A_1, %eq3A_87 : vector<32x128xi32>
    %convert_element_type3A_89 = arith.extui %eq3A_88 : vector<32x128xi1> to vector<32x128xi32>
    %convert_element_type3A_90 = arith.sitofp %convert_element_type3A_89 : vector<32x128xi32> to vector<32x128xf32>
    %dot_general3A_91 = arith.constant dense<0.000000e+00> : vector<32x128xf32>
    %dot_general3A_92 = tpu.matmul %convert_element_type3A_90, %convert_element_type3A_3, %dot_general3A_91 {dimension_numbers = #tpu.dot_dimension_numbers<[1], [0], [0], [1], [0, 0, 1, 1], [], []>, transpose_lhs_hint = false} : vector<32x128xf32>, vector<128x128xf32>, vector<32x128xf32> -> vector<32x128xf32>
    %reduce_sum3A_93 = arith.constant dense<0.000000e+00> : vector<32xf32>
    %reduce_sum3A_94 = vector.multi_reduction <add>, %convert_element_type3A_90, %reduce_sum3A_93 [1] : vector<32x128xf32> to vector<32xf32>
    %broadcast_in_dim3A_95 = vector.shape_cast %reduce_sum3A_94 : vector<32xf32> to vector<32x1xf32>
    %dot_general3A_96 = arith.constant dense<0.000000e+00> : vector<32x1xf32>
    %dot_general3A_97 = tpu.matmul %convert_element_type3A_7, %broadcast_in_dim3A_95, %dot_general3A_96 {dimension_numbers = #tpu.dot_dimension_numbers<[1], [0], [0], [1], [0, 0, 1, 1], [], []>, transpose_lhs_hint = false} : vector<32x32xf32>, vector<32x1xf32>, vector<32x1xf32> -> vector<32x1xf32>
    %add3A_98 = vector.broadcast %dot_general3A_97 : vector<32x1xf32> to vector<32x128xf32>
    %add3A_99 = arith.addf %dot_general3A_92, %add3A_98 : vector<32x128xf32>
    %sub3A_100 = arith.constant 1.000000e+00 : f32
    %sub3A_101 = vector.broadcast %sub3A_100 : f32 to vector<32x128xf32>
    %sub3A_102 = arith.subf %add3A_99, %sub3A_101 : vector<32x128xf32>
    %add3A_103 = vector.broadcast %add3A_85 : f32 to vector<32x128xf32>
    %add3A_104 = arith.addf %add3A_103, %sub3A_102 : vector<32x128xf32>
    %mul3A_105 = arith.mulf %convert_element_type3A_90, %add3A_104 : vector<32x128xf32>
    %add3A_106 = arith.addf %add3A_79, %mul3A_105 : vector<32x128xf32>
    %reduce_sum3A_107 = vector.shape_cast %broadcast_in_dim3A_95 : vector<32x1xf32> to vector<1x32x1xf32>
    %reduce_sum3A_108 = arith.constant dense<0.000000e+00> : vector<1xf32>
    %reduce_sum3A_109 = vector.multi_reduction <add>, %reduce_sum3A_107, %reduce_sum3A_108 [1, 2] : vector<1x32x1xf32> to vector<1xf32>
    %reduce_sum3A_110 = vector.shape_cast %reduce_sum3A_109 : vector<1xf32> to vector<1x1x1xf32>
    %reduce_sum3A_111 = vector.extract %reduce_sum3A_110[0, 0, 0] : f32 from vector<1x1x1xf32>
    %add3A_112 = arith.addf %add3A_85, %reduce_sum3A_111 : f32
    %eq3A_113 = arith.constant 4 : i32
    %eq3A_114 = vector.broadcast %eq3A_113 : i32 to vector<32x128xi32>
    %eq3A_115 = arith.cmpi eq, %get3A_1, %eq3A_114 : vector<32x128xi32>
    %convert_element_type3A_116 = arith.extui %eq3A_115 : vector<32x128xi1> to vector<32x128xi32>
    %convert_element_type3A_117 = arith.sitofp %convert_element_type3A_116 : vector<32x128xi32> to vector<32x128xf32>
    %dot_general3A_118 = arith.constant dense<0.000000e+00> : vector<32x128xf32>
    %dot_general3A_119 = tpu.matmul %convert_element_type3A_117, %convert_element_type3A_3, %dot_general3A_118 {dimension_numbers = #tpu.dot_dimension_numbers<[1], [0], [0], [1], [0, 0, 1, 1], [], []>, transpose_lhs_hint = false} : vector<32x128xf32>, vector<128x128xf32>, vector<32x128xf32> -> vector<32x128xf32>
    %reduce_sum3A_120 = arith.constant dense<0.000000e+00> : vector<32xf32>
    %reduce_sum3A_121 = vector.multi_reduction <add>, %convert_element_type3A_117, %reduce_sum3A_120 [1] : vector<32x128xf32> to vector<32xf32>
    %broadcast_in_dim3A_122 = vector.shape_cast %reduce_sum3A_121 : vector<32xf32> to vector<32x1xf32>
    %dot_general3A_123 = arith.constant dense<0.000000e+00> : vector<32x1xf32>
    %dot_general3A_124 = tpu.matmul %convert_element_type3A_7, %broadcast_in_dim3A_122, %dot_general3A_123 {dimension_numbers = #tpu.dot_dimension_numbers<[1], [0], [0], [1], [0, 0, 1, 1], [], []>, transpose_lhs_hint = false} : vector<32x32xf32>, vector<32x1xf32>, vector<32x1xf32> -> vector<32x1xf32>
    %add3A_125 = vector.broadcast %dot_general3A_124 : vector<32x1xf32> to vector<32x128xf32>
    %add3A_126 = arith.addf %dot_general3A_119, %add3A_125 : vector<32x128xf32>
    %sub3A_127 = arith.constant 1.000000e+00 : f32
    %sub3A_128 = vector.broadcast %sub3A_127 : f32 to vector<32x128xf32>
    %sub3A_129 = arith.subf %add3A_126, %sub3A_128 : vector<32x128xf32>
    %add3A_130 = vector.broadcast %add3A_112 : f32 to vector<32x128xf32>
    %add3A_131 = arith.addf %add3A_130, %sub3A_129 : vector<32x128xf32>
    %mul3A_132 = arith.mulf %convert_element_type3A_117, %add3A_131 : vector<32x128xf32>
    %add3A_133 = arith.addf %add3A_106, %mul3A_132 : vector<32x128xf32>
    %reduce_sum3A_134 = vector.shape_cast %broadcast_in_dim3A_122 : vector<32x1xf32> to vector<1x32x1xf32>
    %reduce_sum3A_135 = arith.constant dense<0.000000e+00> : vector<1xf32>
    %reduce_sum3A_136 = vector.multi_reduction <add>, %reduce_sum3A_134, %reduce_sum3A_135 [1, 2] : vector<1x32x1xf32> to vector<1xf32>
    %reduce_sum3A_137 = vector.shape_cast %reduce_sum3A_136 : vector<1xf32> to vector<1x1x1xf32>
    %reduce_sum3A_138 = vector.extract %reduce_sum3A_137[0, 0, 0] : f32 from vector<1x1x1xf32>
    %add3A_139 = arith.addf %add3A_112, %reduce_sum3A_138 : f32
    %eq3A_140 = arith.constant 5 : i32
    %eq3A_141 = vector.broadcast %eq3A_140 : i32 to vector<32x128xi32>
    %eq3A_142 = arith.cmpi eq, %get3A_1, %eq3A_141 : vector<32x128xi32>
    %convert_element_type3A_143 = arith.extui %eq3A_142 : vector<32x128xi1> to vector<32x128xi32>
    %convert_element_type3A_144 = arith.sitofp %convert_element_type3A_143 : vector<32x128xi32> to vector<32x128xf32>
    %dot_general3A_145 = arith.constant dense<0.000000e+00> : vector<32x128xf32>
    %dot_general3A_146 = tpu.matmul %convert_element_type3A_144, %convert_element_type3A_3, %dot_general3A_145 {dimension_numbers = #tpu.dot_dimension_numbers<[1], [0], [0], [1], [0, 0, 1, 1], [], []>, transpose_lhs_hint = false} : vector<32x128xf32>, vector<128x128xf32>, vector<32x128xf32> -> vector<32x128xf32>
    %reduce_sum3A_147 = arith.constant dense<0.000000e+00> : vector<32xf32>
    %reduce_sum3A_148 = vector.multi_reduction <add>, %convert_element_type3A_144, %reduce_sum3A_147 [1] : vector<32x128xf32> to vector<32xf32>
    %broadcast_in_dim3A_149 = vector.shape_cast %reduce_sum3A_148 : vector<32xf32> to vector<32x1xf32>
    %dot_general3A_150 = arith.constant dense<0.000000e+00> : vector<32x1xf32>
    %dot_general3A_151 = tpu.matmul %convert_element_type3A_7, %broadcast_in_dim3A_149, %dot_general3A_150 {dimension_numbers = #tpu.dot_dimension_numbers<[1], [0], [0], [1], [0, 0, 1, 1], [], []>, transpose_lhs_hint = false} : vector<32x32xf32>, vector<32x1xf32>, vector<32x1xf32> -> vector<32x1xf32>
    %add3A_152 = vector.broadcast %dot_general3A_151 : vector<32x1xf32> to vector<32x128xf32>
    %add3A_153 = arith.addf %dot_general3A_146, %add3A_152 : vector<32x128xf32>
    %sub3A_154 = arith.constant 1.000000e+00 : f32
    %sub3A_155 = vector.broadcast %sub3A_154 : f32 to vector<32x128xf32>
    %sub3A_156 = arith.subf %add3A_153, %sub3A_155 : vector<32x128xf32>
    %add3A_157 = vector.broadcast %add3A_139 : f32 to vector<32x128xf32>
    %add3A_158 = arith.addf %add3A_157, %sub3A_156 : vector<32x128xf32>
    %mul3A_159 = arith.mulf %convert_element_type3A_144, %add3A_158 : vector<32x128xf32>
    %add3A_160 = arith.addf %add3A_133, %mul3A_159 : vector<32x128xf32>
    %reduce_sum3A_161 = vector.shape_cast %broadcast_in_dim3A_149 : vector<32x1xf32> to vector<1x32x1xf32>
    %reduce_sum3A_162 = arith.constant dense<0.000000e+00> : vector<1xf32>
    %reduce_sum3A_163 = vector.multi_reduction <add>, %reduce_sum3A_161, %reduce_sum3A_162 [1, 2] : vector<1x32x1xf32> to vector<1xf32>
    %reduce_sum3A_164 = vector.shape_cast %reduce_sum3A_163 : vector<1xf32> to vector<1x1x1xf32>
    %reduce_sum3A_165 = vector.extract %reduce_sum3A_164[0, 0, 0] : f32 from vector<1x1x1xf32>
    %add3A_166 = arith.addf %add3A_139, %reduce_sum3A_165 : f32
    %eq3A_167 = arith.constant 6 : i32
    %eq3A_168 = vector.broadcast %eq3A_167 : i32 to vector<32x128xi32>
    %eq3A_169 = arith.cmpi eq, %get3A_1, %eq3A_168 : vector<32x128xi32>
    %convert_element_type3A_170 = arith.extui %eq3A_169 : vector<32x128xi1> to vector<32x128xi32>
    %convert_element_type3A_171 = arith.sitofp %convert_element_type3A_170 : vector<32x128xi32> to vector<32x128xf32>
    %dot_general3A_172 = arith.constant dense<0.000000e+00> : vector<32x128xf32>
    %dot_general3A_173 = tpu.matmul %convert_element_type3A_171, %convert_element_type3A_3, %dot_general3A_172 {dimension_numbers = #tpu.dot_dimension_numbers<[1], [0], [0], [1], [0, 0, 1, 1], [], []>, transpose_lhs_hint = false} : vector<32x128xf32>, vector<128x128xf32>, vector<32x128xf32> -> vector<32x128xf32>
    %reduce_sum3A_174 = arith.constant dense<0.000000e+00> : vector<32xf32>
    %reduce_sum3A_175 = vector.multi_reduction <add>, %convert_element_type3A_171, %reduce_sum3A_174 [1] : vector<32x128xf32> to vector<32xf32>
    %broadcast_in_dim3A_176 = vector.shape_cast %reduce_sum3A_175 : vector<32xf32> to vector<32x1xf32>
    %dot_general3A_177 = arith.constant dense<0.000000e+00> : vector<32x1xf32>
    %dot_general3A_178 = tpu.matmul %convert_element_type3A_7, %broadcast_in_dim3A_176, %dot_general3A_177 {dimension_numbers = #tpu.dot_dimension_numbers<[1], [0], [0], [1], [0, 0, 1, 1], [], []>, transpose_lhs_hint = false} : vector<32x32xf32>, vector<32x1xf32>, vector<32x1xf32> -> vector<32x1xf32>
    %add3A_179 = vector.broadcast %dot_general3A_178 : vector<32x1xf32> to vector<32x128xf32>
    %add3A_180 = arith.addf %dot_general3A_173, %add3A_179 : vector<32x128xf32>
    %sub3A_181 = arith.constant 1.000000e+00 : f32
    %sub3A_182 = vector.broadcast %sub3A_181 : f32 to vector<32x128xf32>
    %sub3A_183 = arith.subf %add3A_180, %sub3A_182 : vector<32x128xf32>
    %add3A_184 = vector.broadcast %add3A_166 : f32 to vector<32x128xf32>
    %add3A_185 = arith.addf %add3A_184, %sub3A_183 : vector<32x128xf32>
    %mul3A_186 = arith.mulf %convert_element_type3A_171, %add3A_185 : vector<32x128xf32>
    %add3A_187 = arith.addf %add3A_160, %mul3A_186 : vector<32x128xf32>
    %reduce_sum3A_188 = vector.shape_cast %broadcast_in_dim3A_176 : vector<32x1xf32> to vector<1x32x1xf32>
    %reduce_sum3A_189 = arith.constant dense<0.000000e+00> : vector<1xf32>
    %reduce_sum3A_190 = vector.multi_reduction <add>, %reduce_sum3A_188, %reduce_sum3A_189 [1, 2] : vector<1x32x1xf32> to vector<1xf32>
    %reduce_sum3A_191 = vector.shape_cast %reduce_sum3A_190 : vector<1xf32> to vector<1x1x1xf32>
    %reduce_sum3A_192 = vector.extract %reduce_sum3A_191[0, 0, 0] : f32 from vector<1x1x1xf32>
    %add3A_193 = arith.addf %add3A_166, %reduce_sum3A_192 : f32
    %eq3A_194 = arith.constant 7 : i32
    %eq3A_195 = vector.broadcast %eq3A_194 : i32 to vector<32x128xi32>
    %eq3A_196 = arith.cmpi eq, %get3A_1, %eq3A_195 : vector<32x128xi32>
    %convert_element_type3A_197 = arith.extui %eq3A_196 : vector<32x128xi1> to vector<32x128xi32>
    %convert_element_type3A_198 = arith.sitofp %convert_element_type3A_197 : vector<32x128xi32> to vector<32x128xf32>
    %dot_general3A_199 = arith.constant dense<0.000000e+00> : vector<32x128xf32>
    %dot_general3A_200 = tpu.matmul %convert_element_type3A_198, %convert_element_type3A_3, %dot_general3A_199 {dimension_numbers = #tpu.dot_dimension_numbers<[1], [0], [0], [1], [0, 0, 1, 1], [], []>, transpose_lhs_hint = false} : vector<32x128xf32>, vector<128x128xf32>, vector<32x128xf32> -> vector<32x128xf32>
    %reduce_sum3A_201 = arith.constant dense<0.000000e+00> : vector<32xf32>
    %reduce_sum3A_202 = vector.multi_reduction <add>, %convert_element_type3A_198, %reduce_sum3A_201 [1] : vector<32x128xf32> to vector<32xf32>
    %broadcast_in_dim3A_203 = vector.shape_cast %reduce_sum3A_202 : vector<32xf32> to vector<32x1xf32>
    %dot_general3A_204 = arith.constant dense<0.000000e+00> : vector<32x1xf32>
    %dot_general3A_205 = tpu.matmul %convert_element_type3A_7, %broadcast_in_dim3A_203, %dot_general3A_204 {dimension_numbers = #tpu.dot_dimension_numbers<[1], [0], [0], [1], [0, 0, 1, 1], [], []>, transpose_lhs_hint = false} : vector<32x32xf32>, vector<32x1xf32>, vector<32x1xf32> -> vector<32x1xf32>
    %add3A_206 = vector.broadcast %dot_general3A_205 : vector<32x1xf32> to vector<32x128xf32>
    %add3A_207 = arith.addf %dot_general3A_200, %add3A_206 : vector<32x128xf32>
    %sub3A_208 = arith.constant 1.000000e+00 : f32
    %sub3A_209 = vector.broadcast %sub3A_208 : f32 to vector<32x128xf32>
    %sub3A_210 = arith.subf %add3A_207, %sub3A_209 : vector<32x128xf32>
    %add3A_211 = vector.broadcast %add3A_193 : f32 to vector<32x128xf32>
    %add3A_212 = arith.addf %add3A_211, %sub3A_210 : vector<32x128xf32>
    %mul3A_213 = arith.mulf %convert_element_type3A_198, %add3A_212 : vector<32x128xf32>
    %add3A_214 = arith.addf %add3A_187, %mul3A_213 : vector<32x128xf32>
    %reduce_sum3A_215 = vector.shape_cast %broadcast_in_dim3A_203 : vector<32x1xf32> to vector<1x32x1xf32>
    %reduce_sum3A_216 = arith.constant dense<0.000000e+00> : vector<1xf32>
    %reduce_sum3A_217 = vector.multi_reduction <add>, %reduce_sum3A_215, %reduce_sum3A_216 [1, 2] : vector<1x32x1xf32> to vector<1xf32>
    %reduce_sum3A_218 = vector.shape_cast %reduce_sum3A_217 : vector<1xf32> to vector<1x1x1xf32>
    %reduce_sum3A_219 = vector.extract %reduce_sum3A_218[0, 0, 0] : f32 from vector<1x1x1xf32>
    %add3A_220 = arith.addf %add3A_193, %reduce_sum3A_219 : f32
    %convert_element_type3A_221 = arith.fptosi %add3A_214 : vector<32x128xf32> to vector<32x128xi32>
    %swap3A = arith.constant 0 : index
    %swap3A_222 = arith.constant 0 : index
    %swap3A_223 = vector.load %arg1[%swap3A, %swap3A_222] : memref<32x128xi32, #tpu.memory_space<vmem>>, vector<32x128xi32>
    tpu.vector_store %arg1[%swap3A, %swap3A_222], %convert_element_type3A_221 {strides = array<i32>} : memref<32x128xi32, #tpu.memory_space<vmem>>, vector<32x128xi32>,
    %stack3A = arith.constant 0.000000e+00 : f32
    %stack3A_224 = vector.broadcast %stack3A : f32 to vector<1xf32>
    %stack3A_225 = vector.broadcast %add3A_31 : f32 to vector<1xf32>
    %stack3A_226 = vector.broadcast %add3A_58 : f32 to vector<1xf32>
    %stack3A_227 = vector.broadcast %add3A_85 : f32 to vector<1xf32>
    %stack3A_228 = vector.broadcast %add3A_112 : f32 to vector<1xf32>
    %stack3A_229 = vector.broadcast %add3A_139 : f32 to vector<1xf32>
    %stack3A_230 = vector.broadcast %add3A_166 : f32 to vector<1xf32>
    %stack3A_231 = vector.broadcast %add3A_193 : f32 to vector<1xf32>
    %stack3A_232 = tpu.concatenate %stack3A_224, %stack3A_225, %stack3A_226, %stack3A_227, %stack3A_228, %stack3A_229, %stack3A_230, %stack3A_231 in 0 : vector<1xf32>, vector<1xf32>, vector<1xf32>, vector<1xf32>, vector<1xf32>, vector<1xf32>, vector<1xf32>, vector<1xf32> -> vector<8xf32>
    %reshape3A = vector.shape_cast %stack3A_232 : vector<8xf32> to vector<1x8xf32>
    %stack3A_233 = vector.broadcast %add3A_31 : f32 to vector<1xf32>
    %stack3A_234 = vector.broadcast %add3A_58 : f32 to vector<1xf32>
    %stack3A_235 = vector.broadcast %add3A_85 : f32 to vector<1xf32>
    %stack3A_236 = vector.broadcast %add3A_112 : f32 to vector<1xf32>
    %stack3A_237 = vector.broadcast %add3A_139 : f32 to vector<1xf32>
    %stack3A_238 = vector.broadcast %add3A_166 : f32 to vector<1xf32>
    %stack3A_239 = vector.broadcast %add3A_193 : f32 to vector<1xf32>
    %stack3A_240 = vector.broadcast %add3A_220 : f32 to vector<1xf32>
    %stack3A_241 = tpu.concatenate %stack3A_233, %stack3A_234, %stack3A_235, %stack3A_236, %stack3A_237, %stack3A_238, %stack3A_239, %stack3A_240 in 0 : vector<1xf32>, vector<1xf32>, vector<1xf32>, vector<1xf32>, vector<1xf32>, vector<1xf32>, vector<1xf32>, vector<1xf32> -> vector<8xf32>
    %reshape3A_242 = vector.shape_cast %stack3A_241 : vector<8xf32> to vector<1x8xf32>
    %stack3A_243 = arith.constant 0.000000e+00 : f32
    %stack3A_244 = vector.broadcast %stack3A_243 : f32 to vector<1xf32>
    %stack3A_245 = vector.broadcast %add3A_31 : f32 to vector<1xf32>
    %stack3A_246 = vector.broadcast %add3A_58 : f32 to vector<1xf32>
    %stack3A_247 = vector.broadcast %add3A_85 : f32 to vector<1xf32>
    %stack3A_248 = vector.broadcast %add3A_112 : f32 to vector<1xf32>
    %stack3A_249 = vector.broadcast %add3A_139 : f32 to vector<1xf32>
    %stack3A_250 = vector.broadcast %add3A_166 : f32 to vector<1xf32>
    %stack3A_251 = vector.broadcast %add3A_193 : f32 to vector<1xf32>
    %stack3A_252 = tpu.concatenate %stack3A_244, %stack3A_245, %stack3A_246, %stack3A_247, %stack3A_248, %stack3A_249, %stack3A_250, %stack3A_251 in 0 : vector<1xf32>, vector<1xf32>, vector<1xf32>, vector<1xf32>, vector<1xf32>, vector<1xf32>, vector<1xf32>, vector<1xf32> -> vector<8xf32>
    %reshape3A_253 = vector.shape_cast %stack3A_252 : vector<8xf32> to vector<8x1xf32>
    %stack3A_254 = vector.broadcast %add3A_31 : f32 to vector<1xf32>
    %stack3A_255 = vector.broadcast %add3A_58 : f32 to vector<1xf32>
    %stack3A_256 = vector.broadcast %add3A_85 : f32 to vector<1xf32>
    %stack3A_257 = vector.broadcast %add3A_112 : f32 to vector<1xf32>
    %stack3A_258 = vector.broadcast %add3A_139 : f32 to vector<1xf32>
    %stack3A_259 = vector.broadcast %add3A_166 : f32 to vector<1xf32>
    %stack3A_260 = vector.broadcast %add3A_193 : f32 to vector<1xf32>
    %stack3A_261 = vector.broadcast %add3A_220 : f32 to vector<1xf32>
    %stack3A_262 = tpu.concatenate %stack3A_254, %stack3A_255, %stack3A_256, %stack3A_257, %stack3A_258, %stack3A_259, %stack3A_260, %stack3A_261 in 0 : vector<1xf32>, vector<1xf32>, vector<1xf32>, vector<1xf32>, vector<1xf32>, vector<1xf32>, vector<1xf32>, vector<1xf32> -> vector<8xf32>
    %reshape3A_263 = vector.shape_cast %stack3A_262 : vector<8xf32> to vector<8x1xf32>
    %iota3A_264 = tpu.iota {dimensions = array<i32: 0>} : vector<8x1xi32>
    %convert_element_type3A_265 = arith.sitofp %iota3A_264 : vector<8x1xi32> to vector<8x1xf32>
    %add3A_266 = arith.constant 1.000000e+00 : f32
    %add3A_267 = vector.broadcast %add3A_266 : f32 to vector<8x1xf32>
    %add3A_268 = arith.addf %convert_element_type3A_265, %add3A_267 : vector<8x1xf32>
    %mul3A_269 = arith.constant 5.120000e+02 : f32
    %mul3A_270 = vector.broadcast %mul3A_269 : f32 to vector<8x1xf32>
    %mul3A_271 = arith.mulf %add3A_268, %mul3A_270 : vector<8x1xf32>
    %min3A = vector.broadcast %mul3A_271 : vector<8x1xf32> to vector<8x8xf32>
    %min3A_272 = vector.broadcast %reshape3A_242 : vector<1x8xf32> to vector<8x8xf32>
    %min3A_273 = arith.minimumf %min3A, %min3A_272 : vector<8x8xf32>
    %mul3A_274 = arith.constant 5.120000e+02 : f32
    %mul3A_275 = vector.broadcast %mul3A_274 : f32 to vector<8x1xf32>
    %mul3A_276 = arith.mulf %convert_element_type3A_265, %mul3A_275 : vector<8x1xf32>
    %max3A = vector.broadcast %mul3A_276 : vector<8x1xf32> to vector<8x8xf32>
    %max3A_277 = vector.broadcast %reshape3A : vector<1x8xf32> to vector<8x8xf32>
    %max3A_278 = arith.maximumf %max3A, %max3A_277 : vector<8x8xf32>
    %gt3A = arith.cmpf ogt, %min3A_273, %max3A_278 : vector<8x8xf32>
    %convert_element_type3A_279 = arith.extui %gt3A : vector<8x8xi1> to vector<8x8xi32>
    %convert_element_type3A_280 = arith.sitofp %convert_element_type3A_279 : vector<8x8xi32> to vector<8x8xf32>
    %reduce_sum3A_281 = arith.constant dense<0.000000e+00> : vector<8xf32>
    %reduce_sum3A_282 = vector.multi_reduction <add>, %convert_element_type3A_280, %reduce_sum3A_281 [1] : vector<8x8xf32> to vector<8xf32>
    %broadcast_in_dim3A_283 = vector.shape_cast %reduce_sum3A_282 : vector<8xf32> to vector<8x1xf32>
    %iota3A_284 = tpu.iota {dimensions = array<i32: 1>} : vector<8x8xi32>
    %iota3A_285 = tpu.iota {dimensions = array<i32: 0>} : vector<8x8xi32>
    %lt3A_286 = arith.cmpi slt, %iota3A_284, %iota3A_285 : vector<8x8xi32>
    %convert_element_type3A_287 = arith.extui %lt3A_286 : vector<8x8xi1> to vector<8x8xi32>
    %convert_element_type3A_288 = arith.sitofp %convert_element_type3A_287 : vector<8x8xi32> to vector<8x8xf32>
    %dot_general3A_289 = arith.constant dense<0.000000e+00> : vector<8x1xf32>
    %dot_general3A_290 = tpu.matmul %convert_element_type3A_288, %broadcast_in_dim3A_283, %dot_general3A_289 {dimension_numbers = #tpu.dot_dimension_numbers<[1], [0], [0], [1], [0, 0, 1, 1], [], []>, transpose_lhs_hint = false} : vector<8x8xf32>, vector<8x1xf32>, vector<8x1xf32> -> vector<8x1xf32>
    %iota3A_291 = tpu.iota {dimensions = array<i32: 1>} : vector<1x15xi32>
    %convert_element_type3A_292 = arith.sitofp %iota3A_291 : vector<1x15xi32> to vector<1x15xf32>
    %le3A_293 = vector.broadcast %dot_general3A_290 : vector<8x1xf32> to vector<8x15xf32>
    %le3A_294 = vector.broadcast %convert_element_type3A_292 : vector<1x15xf32> to vector<8x15xf32>
    %le3A_295 = arith.cmpf ole, %le3A_293, %le3A_294 : vector<8x15xf32>
    %convert_element_type3A_296 = arith.extui %le3A_295 : vector<8x15xi1> to vector<8x15xi32>
    %convert_element_type3A_297 = arith.sitofp %convert_element_type3A_296 : vector<8x15xi32> to vector<8x15xf32>
    %reduce_sum3A_298 = arith.constant dense<0.000000e+00> : vector<15xf32>
    %reduce_sum3A_299 = vector.multi_reduction <add>, %convert_element_type3A_297, %reduce_sum3A_298 [0] : vector<8x15xf32> to vector<15xf32>
    %broadcast_in_dim3A_300 = vector.shape_cast %reduce_sum3A_299 : vector<15xf32> to vector<1x15xf32>
    %sub3A_301 = arith.constant 1.000000e+00 : f32
    %sub3A_302 = vector.broadcast %sub3A_301 : f32 to vector<1x15xf32>
    %sub3A_303 = arith.subf %broadcast_in_dim3A_300, %sub3A_302 : vector<1x15xf32>
    %iota3A_304 = tpu.iota {dimensions = array<i32: 0>} : vector<8x15xi32>
    %convert_element_type3A_305 = arith.sitofp %iota3A_304 : vector<8x15xi32> to vector<8x15xf32>
    %eq3A_306 = vector.broadcast %sub3A_303 : vector<1x15xf32> to vector<8x15xf32>
    %eq3A_307 = arith.cmpf oeq, %convert_element_type3A_305, %eq3A_306 : vector<8x15xf32>
    %convert_element_type3A_308 = arith.extui %eq3A_307 : vector<8x15xi1> to vector<8x15xi32>
    %convert_element_type3A_309 = arith.sitofp %convert_element_type3A_308 : vector<8x15xi32> to vector<8x15xf32>
    %mul3A_310 = vector.broadcast %dot_general3A_290 : vector<8x1xf32> to vector<8x15xf32>
    %mul3A_311 = arith.mulf %convert_element_type3A_309, %mul3A_310 : vector<8x15xf32>
    %reduce_sum3A_312 = arith.constant dense<0.000000e+00> : vector<15xf32>
    %reduce_sum3A_313 = vector.multi_reduction <add>, %mul3A_311, %reduce_sum3A_312 [0] : vector<8x15xf32> to vector<15xf32>
    %broadcast_in_dim3A_314 = vector.shape_cast %reduce_sum3A_313 : vector<15xf32> to vector<1x15xf32>
    %mul3A_315 = vector.broadcast %broadcast_in_dim3A_283 : vector<8x1xf32> to vector<8x15xf32>
    %mul3A_316 = arith.mulf %convert_element_type3A_309, %mul3A_315 : vector<8x15xf32>
    %reduce_sum3A_317 = arith.constant dense<0.000000e+00> : vector<15xf32>
    %reduce_sum3A_318 = vector.multi_reduction <add>, %mul3A_316, %reduce_sum3A_317 [0] : vector<8x15xf32> to vector<15xf32>
    %broadcast_in_dim3A_319 = vector.shape_cast %reduce_sum3A_318 : vector<15xf32> to vector<1x15xf32>
    %sub3A_320 = arith.subf %convert_element_type3A_292, %broadcast_in_dim3A_314 : vector<1x15xf32>
    %sub3A_321 = arith.constant 1.000000e+00 : f32
    %sub3A_322 = vector.broadcast %sub3A_321 : f32 to vector<1x15xf32>
    %sub3A_323 = arith.subf %broadcast_in_dim3A_319, %sub3A_322 : vector<1x15xf32>
    %max3A_324 = arith.constant 0.000000e+00 : f32
    %max3A_325 = vector.broadcast %max3A_324 : f32 to vector<1x15xf32>
    %max3A_326 = arith.maximumf %sub3A_323, %max3A_325 : vector<1x15xf32>
    %min3A_327 = arith.minimumf %sub3A_320, %max3A_326 : vector<1x15xf32>
    %iota3A_328 = tpu.iota {dimensions = array<i32: 1>} : vector<1x8xi32>
    %convert_element_type3A_329 = arith.sitofp %iota3A_328 : vector<1x8xi32> to vector<1x8xf32>
    %add3A_330 = arith.constant 1.000000e+00 : f32
    %add3A_331 = vector.broadcast %add3A_330 : f32 to vector<1x8xf32>
    %add3A_332 = arith.addf %convert_element_type3A_329, %add3A_331 : vector<1x8xf32>
    %mul3A_333 = arith.constant 5.120000e+02 : f32
    %mul3A_334 = vector.broadcast %mul3A_333 : f32 to vector<1x8xf32>
    %mul3A_335 = arith.mulf %add3A_332, %mul3A_334 : vector<1x8xf32>
    %min3A_336 = vector.broadcast %mul3A_335 : vector<1x8xf32> to vector<8x8xf32>
    %min3A_337 = vector.broadcast %reshape3A_263 : vector<8x1xf32> to vector<8x8xf32>
    %min3A_338 = arith.minimumf %min3A_336, %min3A_337 : vector<8x8xf32>
    %mul3A_339 = arith.constant 5.120000e+02 : f32
    %mul3A_340 = vector.broadcast %mul3A_339 : f32 to vector<1x8xf32>
    %mul3A_341 = arith.mulf %convert_element_type3A_329, %mul3A_340 : vector<1x8xf32>
    %max3A_342 = vector.broadcast %mul3A_341 : vector<1x8xf32> to vector<8x8xf32>
    %max3A_343 = vector.broadcast %reshape3A_253 : vector<8x1xf32> to vector<8x8xf32>
    %max3A_344 = arith.maximumf %max3A_342, %max3A_343 : vector<8x8xf32>
    %gt3A_345 = arith.cmpf ogt, %min3A_338, %max3A_344 : vector<8x8xf32>
    %convert_element_type3A_346 = arith.extui %gt3A_345 : vector<8x8xi1> to vector<8x8xi32>
    %convert_element_type3A_347 = arith.sitofp %convert_element_type3A_346 : vector<8x8xi32> to vector<8x8xf32>
    %iota3A_348 = tpu.iota {dimensions = array<i32: 1>} : vector<8x8xi32>
    %iota3A_349 = tpu.iota {dimensions = array<i32: 0>} : vector<8x8xi32>
    %le3A_350 = arith.cmpi sle, %iota3A_348, %iota3A_349 : vector<8x8xi32>
    %convert_element_type3A_351 = arith.extui %le3A_350 : vector<8x8xi1> to vector<8x8xi32>
    %convert_element_type3A_352 = arith.sitofp %convert_element_type3A_351 : vector<8x8xi32> to vector<8x8xf32>
    %dot_general3A_353 = arith.constant dense<0.000000e+00> : vector<8x8xf32>
    %dot_general3A_354 = tpu.matmul %convert_element_type3A_352, %convert_element_type3A_347, %dot_general3A_353 {dimension_numbers = #tpu.dot_dimension_numbers<[1], [0], [0], [1], [0, 0, 1, 1], [], []>, transpose_lhs_hint = false} : vector<8x8xf32>, vector<8x8xf32>, vector<8x8xf32> -> vector<8x8xf32>
    %dot_general3A_355 = arith.constant dense<0.000000e+00> : vector<8x15xf32>
    %dot_general3A_356 = tpu.matmul %dot_general3A_354, %convert_element_type3A_309, %dot_general3A_355 {dimension_numbers = #tpu.dot_dimension_numbers<[1], [0], [0], [1], [0, 0, 1, 1], [], []>, transpose_lhs_hint = false} : vector<8x8xf32>, vector<8x15xf32>, vector<8x15xf32> -> vector<8x15xf32>
    %le3A_357 = vector.broadcast %min3A_327 : vector<1x15xf32> to vector<8x15xf32>
    %le3A_358 = arith.cmpf ole, %dot_general3A_356, %le3A_357 : vector<8x15xf32>
    %convert_element_type3A_359 = arith.extui %le3A_358 : vector<8x15xi1> to vector<8x15xi32>
    %convert_element_type3A_360 = arith.sitofp %convert_element_type3A_359 : vector<8x15xi32> to vector<8x15xf32>
    %reduce_sum3A_361 = arith.constant dense<0.000000e+00> : vector<15xf32>
    %reduce_sum3A_362 = vector.multi_reduction <add>, %convert_element_type3A_360, %reduce_sum3A_361 [0] : vector<8x15xf32> to vector<15xf32>
    %broadcast_in_dim3A_363 = vector.shape_cast %reduce_sum3A_362 : vector<15xf32> to vector<1x15xf32>
    %min3A_364 = arith.constant 7.000000e+00 : f32
    %min3A_365 = vector.broadcast %min3A_364 : f32 to vector<1x15xf32>
    %min3A_366 = arith.minimumf %broadcast_in_dim3A_363, %min3A_365 : vector<1x15xf32>
    %iota3A_367 = tpu.iota {dimensions = array<i32: 0>} : vector<8x15xi32>
    %convert_element_type3A_368 = arith.sitofp %iota3A_367 : vector<8x15xi32> to vector<8x15xf32>
    %eq3A_369 = vector.broadcast %min3A_366 : vector<1x15xf32> to vector<8x15xf32>
    %eq3A_370 = arith.cmpf oeq, %convert_element_type3A_368, %eq3A_369 : vector<8x15xf32>
    %convert_element_type3A_371 = arith.extui %eq3A_370 : vector<8x15xi1> to vector<8x15xi32>
    %convert_element_type3A_372 = arith.sitofp %convert_element_type3A_371 : vector<8x15xi32> to vector<8x15xf32>
    %mul3A_373 = vector.broadcast %reshape3A_253 : vector<8x1xf32> to vector<8x15xf32>
    %mul3A_374 = arith.mulf %convert_element_type3A_372, %mul3A_373 : vector<8x15xf32>
    %reduce_sum3A_375 = arith.constant dense<0.000000e+00> : vector<15xf32>
    %reduce_sum3A_376 = vector.multi_reduction <add>, %mul3A_374, %reduce_sum3A_375 [0] : vector<8x15xf32> to vector<15xf32>
    %broadcast_in_dim3A_377 = vector.shape_cast %reduce_sum3A_376 : vector<15xf32> to vector<1x15xf32>
    %mul3A_378 = vector.broadcast %reshape3A_263 : vector<8x1xf32> to vector<8x15xf32>
    %mul3A_379 = arith.mulf %convert_element_type3A_372, %mul3A_378 : vector<8x15xf32>
    %reduce_sum3A_380 = arith.constant dense<0.000000e+00> : vector<15xf32>
    %reduce_sum3A_381 = vector.multi_reduction <add>, %mul3A_379, %reduce_sum3A_380 [0] : vector<8x15xf32> to vector<15xf32>
    %broadcast_in_dim3A_382 = vector.shape_cast %reduce_sum3A_381 : vector<15xf32> to vector<1x15xf32>
    %mul3A_383 = arith.constant 5.120000e+02 : f32
    %mul3A_384 = vector.broadcast %mul3A_383 : f32 to vector<1x15xf32>
    %mul3A_385 = arith.mulf %sub3A_303, %mul3A_384 : vector<1x15xf32>
    %max3A_386 = arith.maximumf %mul3A_385, %broadcast_in_dim3A_377 : vector<1x15xf32>
    %add3A_387 = arith.constant 1.000000e+00 : f32
    %add3A_388 = vector.broadcast %add3A_387 : f32 to vector<1x15xf32>
    %add3A_389 = arith.addf %sub3A_303, %add3A_388 : vector<1x15xf32>
    %mul3A_390 = arith.constant 5.120000e+02 : f32
    %mul3A_391 = vector.broadcast %mul3A_390 : f32 to vector<1x15xf32>
    %mul3A_392 = arith.mulf %add3A_389, %mul3A_391 : vector<1x15xf32>
    %min3A_393 = arith.minimumf %mul3A_392, %broadcast_in_dim3A_382 : vector<1x15xf32>
    %reduce_sum3A_394 = vector.shape_cast %broadcast_in_dim3A_283 : vector<8x1xf32> to vector<1x8x1xf32>
    %reduce_sum3A_395 = arith.constant dense<0.000000e+00> : vector<1xf32>
    %reduce_sum3A_396 = vector.multi_reduction <add>, %reduce_sum3A_394, %reduce_sum3A_395 [1, 2] : vector<1x8x1xf32> to vector<1xf32>
    %reduce_sum3A_397 = vector.shape_cast %reduce_sum3A_396 : vector<1xf32> to vector<1x1x1xf32>
    %reduce_sum3A_398 = vector.extract %reduce_sum3A_397[0, 0, 0] : f32 from vector<1x1x1xf32>
    %ge3A = vector.broadcast %reduce_sum3A_398 : f32 to vector<1x15xf32>
    %ge3A_399 = arith.cmpf oge, %convert_element_type3A_292, %ge3A : vector<1x15xf32>
    %jit3A = arith.constant 0.000000e+00 : f32
    %broadcast_in_dim3A_400 = vector.broadcast %jit3A : f32 to vector<1x15xf32>
    %select_n3A = arith.select %ge3A_399, %broadcast_in_dim3A_400, %max3A_386 : vector<1x15xi1>, vector<1x15xf32>
    %jit3A_401 = arith.constant 0.000000e+00 : f32
    %broadcast_in_dim3A_402 = vector.broadcast %jit3A_401 : f32 to vector<1x15xf32>
    %select_n3A_403 = arith.select %ge3A_399, %broadcast_in_dim3A_402, %min3A_393 : vector<1x15xi1>, vector<1x15xf32>
    %convert_element_type3A_404 = arith.fptosi %sub3A_303 : vector<1x15xf32> to vector<1x15xi32>
    %swap3A_405 = arith.constant 0 : index
    %swap3A_406 = arith.constant 0 : index
    %swap3A_407 = vector.load %arg2[%swap3A_405, %swap3A_406] : memref<1x15xi32, #tpu.memory_space<vmem>>, vector<1x15xi32>
    tpu.vector_store %arg2[%swap3A_405, %swap3A_406], %convert_element_type3A_404 {strides = array<i32>} : memref<1x15xi32, #tpu.memory_space<vmem>>, vector<1x15xi32>,
    %convert_element_type3A_408 = arith.fptosi %min3A_366 : vector<1x15xf32> to vector<1x15xi32>
    %swap3A_409 = arith.constant 0 : index
    %swap3A_410 = arith.constant 0 : index
    %swap3A_411 = vector.load %arg3[%swap3A_409, %swap3A_410] : memref<1x15xi32, #tpu.memory_space<vmem>>, vector<1x15xi32>
    tpu.vector_store %arg3[%swap3A_409, %swap3A_410], %convert_element_type3A_408 {strides = array<i32>} : memref<1x15xi32, #tpu.memory_space<vmem>>, vector<1x15xi32>,
    %convert_element_type3A_412 = arith.fptosi %select_n3A : vector<1x15xf32> to vector<1x15xi32>
    %swap3A_413 = arith.constant 0 : index
    %swap3A_414 = arith.constant 0 : index
    %swap3A_415 = vector.load %arg4[%swap3A_413, %swap3A_414] : memref<1x15xi32, #tpu.memory_space<vmem>>, vector<1x15xi32>
    tpu.vector_store %arg4[%swap3A_413, %swap3A_414], %convert_element_type3A_412 {strides = array<i32>} : memref<1x15xi32, #tpu.memory_space<vmem>>, vector<1x15xi32>,
    %convert_element_type3A_416 = arith.fptosi %select_n3A_403 : vector<1x15xf32> to vector<1x15xi32>
    %swap3A_417 = arith.constant 0 : index
    %swap3A_418 = arith.constant 0 : index
    %swap3A_419 = vector.load %arg5[%swap3A_417, %swap3A_418] : memref<1x15xi32, #tpu.memory_space<vmem>>, vector<1x15xi32>
    tpu.vector_store %arg5[%swap3A_417, %swap3A_418], %convert_element_type3A_416 {strides = array<i32>} : memref<1x15xi32, #tpu.memory_space<vmem>>, vector<1x15xi32>,
    return
  }
}

module attributes {stable_mosaic.version = 14 : i64} {
  func.func @_mlp_body(%arg0: i32, %arg1: memref<15xi32, #tpu.memory_space<smem>>, %arg2: memref<15xi32, #tpu.memory_space<smem>>, %arg3: memref<15xi32, #tpu.memory_space<smem>>, %arg4: memref<15xi32, #tpu.memory_space<smem>>, %arg5: memref<512x768xf32, #tpu.memory_space<vmem>>, %arg6: memref<1x768x768xf32, #tpu.memory_space<vmem>>, %arg7: memref<1x1x768xf32, #tpu.memory_space<vmem>>, %arg8: memref<1x768x768xf32, #tpu.memory_space<vmem>>, %arg9: memref<1x1x768xf32, #tpu.memory_space<vmem>>, %arg10: memref<512x768xf32, #tpu.memory_space<vmem>>) attributes {dimension_semantics = [#tpu.dimension_semantics<arbitrary>], iteration_bounds = array<i64: 15>, scalar_prefetch = 4 : i64, scratch_operands = 0 : i64, tpu.core_type = #tpu.core_type<tc>, window_params = [{transform_indices = @transform_0, window_bounds = array<i64: 512, 768>}, {transform_indices = @transform_1, window_bounds = array<i64: 1, 768, 768>}, {transform_indices = @transform_2, window_bounds = array<i64: 1, 1, 768>}, {transform_indices = @transform_3, window_bounds = array<i64: 1, 768, 768>}, {transform_indices = @transform_4, window_bounds = array<i64: 1, 1, 768>}, {transform_indices = @transform_5, window_bounds = array<i64: 512, 768>}]} {
    %get3A = arith.index_cast %arg0 : i32 to index
    %get3A_0 = memref.load %arg3[%get3A] : memref<15xi32, #tpu.memory_space<smem>>
    %get3A_1 = arith.index_cast %arg0 : i32 to index
    %get3A_2 = memref.load %arg4[%get3A_1] : memref<15xi32, #tpu.memory_space<smem>>
    %gt3A = arith.cmpi sgt, %get3A_2, %get3A_0 : i32
    %convert_element_type3A = arith.extui %gt3A : i1 to i32
    %cond3A = arith.constant 0 : i32
    %cond3A_3 = arith.cmpi ne, %convert_element_type3A, %cond3A : i32
    scf.if %cond3A_3 {
      %get3A_4 = arith.constant 0 : index
      %get3A_5 = arith.constant 0 : index
      %get3A_6 = vector.load %arg5[%get3A_4, %get3A_5] : memref<512x768xf32, #tpu.memory_space<vmem>>, vector<512x768xf32>
      %convert_element_type3A_7 = arith.truncf %get3A_6 : vector<512x768xf32> to vector<512x768xbf16>
      %get3A_8 = arith.constant 0 : index
      %get3A_9 = arith.constant 0 : index
      %get3A_10 = arith.constant 0 : index
      %get3A_11 = vector.load %arg6[%get3A_8, %get3A_9, %get3A_10] : memref<1x768x768xf32, #tpu.memory_space<vmem>>, vector<1x768x768xf32>
      %get3A_12 = vector.shape_cast %get3A_11 : vector<1x768x768xf32> to vector<768x768xf32>
      %convert_element_type3A_13 = arith.truncf %get3A_12 : vector<768x768xf32> to vector<768x768xbf16>
      %dot_general3A = arith.constant dense<0.000000e+00> : vector<512x768xf32>
      %dot_general3A_14 = tpu.matmul %convert_element_type3A_7, %convert_element_type3A_13, %dot_general3A {dimension_numbers = #tpu.dot_dimension_numbers<[1], [0], [0], [1], [0, 0, 1, 1], [], []>, transpose_lhs_hint = false} : vector<512x768xbf16>, vector<768x768xbf16>, vector<512x768xf32> -> vector<512x768xf32>
      %get3A_15 = arith.constant 0 : index
      %get3A_16 = arith.constant 0 : index
      %get3A_17 = arith.constant 0 : index
      %get3A_18 = vector.load %arg7[%get3A_15, %get3A_16, %get3A_17] : memref<1x1x768xf32, #tpu.memory_space<vmem>>, vector<1x1x768xf32>
      %get3A_19 = vector.shape_cast %get3A_18 : vector<1x1x768xf32> to vector<1x768xf32>
      %add3A = vector.broadcast %get3A_19 : vector<1x768xf32> to vector<512x768xf32>
      %add3A_20 = arith.addf %dot_general3A_14, %add3A : vector<512x768xf32>
      %max3A = arith.constant 0.000000e+00 : f32
      %max3A_21 = vector.broadcast %max3A : f32 to vector<512x768xf32>
      %max3A_22 = arith.maximumf %add3A_20, %max3A_21 : vector<512x768xf32>
      %convert_element_type3A_23 = arith.truncf %max3A_22 : vector<512x768xf32> to vector<512x768xbf16>
      %get3A_24 = arith.constant 0 : index
      %get3A_25 = arith.constant 0 : index
      %get3A_26 = arith.constant 0 : index
      %get3A_27 = vector.load %arg8[%get3A_24, %get3A_25, %get3A_26] : memref<1x768x768xf32, #tpu.memory_space<vmem>>, vector<1x768x768xf32>
      %get3A_28 = vector.shape_cast %get3A_27 : vector<1x768x768xf32> to vector<768x768xf32>
      %convert_element_type3A_29 = arith.truncf %get3A_28 : vector<768x768xf32> to vector<768x768xbf16>
      %dot_general3A_30 = arith.constant dense<0.000000e+00> : vector<512x768xf32>
      %dot_general3A_31 = tpu.matmul %convert_element_type3A_23, %convert_element_type3A_29, %dot_general3A_30 {dimension_numbers = #tpu.dot_dimension_numbers<[1], [0], [0], [1], [0, 0, 1, 1], [], []>, transpose_lhs_hint = false} : vector<512x768xbf16>, vector<768x768xbf16>, vector<512x768xf32> -> vector<512x768xf32>
      %get3A_32 = arith.constant 0 : index
      %get3A_33 = arith.constant 0 : index
      %get3A_34 = arith.constant 0 : index
      %get3A_35 = vector.load %arg9[%get3A_32, %get3A_33, %get3A_34] : memref<1x1x768xf32, #tpu.memory_space<vmem>>, vector<1x1x768xf32>
      %get3A_36 = vector.shape_cast %get3A_35 : vector<1x1x768xf32> to vector<1x768xf32>
      %add3A_37 = vector.broadcast %get3A_36 : vector<1x768xf32> to vector<512x768xf32>
      %add3A_38 = arith.addf %dot_general3A_31, %add3A_37 : vector<512x768xf32>
      %get3A_39 = arith.index_cast %arg0 : i32 to index
      %get3A_40 = memref.load %arg1[%get3A_39] : memref<15xi32, #tpu.memory_space<smem>>
      %mul3A = arith.constant 512 : i32
      %mul3A_41 = arith.muli %get3A_40, %mul3A : i32
      %iota3A = tpu.iota {dimensions = array<i32: 0>} : vector<512x1xi32>
      %add3A_42 = vector.broadcast %mul3A_41 : i32 to vector<512x1xi32>
      %add3A_43 = arith.addi %add3A_42, %iota3A : vector<512x1xi32>
      %ge3A = vector.broadcast %get3A_0 : i32 to vector<512x1xi32>
      %ge3A_44 = arith.cmpi sge, %add3A_43, %ge3A : vector<512x1xi32>
      %lt3A = vector.broadcast %get3A_2 : i32 to vector<512x1xi32>
      %lt3A_45 = arith.cmpi slt, %add3A_43, %lt3A : vector<512x1xi32>
      %and3A = arith.andi %ge3A_44, %lt3A_45 : vector<512x1xi1>
      %get3A_46 = arith.constant 0 : index
      %get3A_47 = arith.constant 0 : index
      %get3A_48 = vector.load %arg10[%get3A_46, %get3A_47] : memref<512x768xf32, #tpu.memory_space<vmem>>, vector<512x768xf32>
      %broadcast_in_dim3A = vector.shape_cast %and3A : vector<512x1xi1> to vector<512x1xi1>
      %broadcast_in_dim3A_49 = vector.broadcast %broadcast_in_dim3A : vector<512x1xi1> to vector<512x768xi1>
      %select_n3A = arith.select %broadcast_in_dim3A_49, %add3A_38, %get3A_48 : vector<512x768xi1>, vector<512x768xf32>
      %swap3A = arith.constant 0 : index
      %swap3A_50 = arith.constant 0 : index
      %swap3A_51 = vector.load %arg10[%swap3A, %swap3A_50] : memref<512x768xf32, #tpu.memory_space<vmem>>, vector<512x768xf32>
      tpu.vector_store %arg10[%swap3A, %swap3A_50], %select_n3A {strides = array<i32>} : memref<512x768xf32, #tpu.memory_space<vmem>>, vector<512x768xf32>,
    } else {
    }
    return
  }
  func.func @transform_0(%arg0: i32, %arg1: memref<15xi32, #tpu.memory_space<smem>>, %arg2: memref<15xi32, #tpu.memory_space<smem>>, %arg3: memref<15xi32, #tpu.memory_space<smem>>, %arg4: memref<15xi32, #tpu.memory_space<smem>>) -> (i32, i32) {
    %get3A = arith.index_cast %arg0 : i32 to index
    %get3A_0 = memref.load %arg1[%get3A] : memref<15xi32, #tpu.memory_space<smem>>
    %c0_i32 = arith.constant 0 : i32
    %c0_i32_1 = arith.constant 0 : i32
    return %get3A_0, %c0_i32 : i32, i32
  }
  func.func @transform_1(%arg0: i32, %arg1: memref<15xi32, #tpu.memory_space<smem>>, %arg2: memref<15xi32, #tpu.memory_space<smem>>, %arg3: memref<15xi32, #tpu.memory_space<smem>>, %arg4: memref<15xi32, #tpu.memory_space<smem>>) -> (i32, i32, i32) {
    %get3A = arith.index_cast %arg0 : i32 to index
    %get3A_0 = memref.load %arg2[%get3A] : memref<15xi32, #tpu.memory_space<smem>>
    %c0_i32 = arith.constant 0 : i32
    %c0_i32_1 = arith.constant 0 : i32
    %c0_i32_2 = arith.constant 0 : i32
    return %get3A_0, %c0_i32, %c0_i32_1 : i32, i32, i32
  }
  func.func @transform_2(%arg0: i32, %arg1: memref<15xi32, #tpu.memory_space<smem>>, %arg2: memref<15xi32, #tpu.memory_space<smem>>, %arg3: memref<15xi32, #tpu.memory_space<smem>>, %arg4: memref<15xi32, #tpu.memory_space<smem>>) -> (i32, i32, i32) {
    %get3A = arith.index_cast %arg0 : i32 to index
    %get3A_0 = memref.load %arg2[%get3A] : memref<15xi32, #tpu.memory_space<smem>>
    %c0_i32 = arith.constant 0 : i32
    %c0_i32_1 = arith.constant 0 : i32
    %c0_i32_2 = arith.constant 0 : i32
    return %get3A_0, %c0_i32, %c0_i32_1 : i32, i32, i32
  }
  func.func @transform_3(%arg0: i32, %arg1: memref<15xi32, #tpu.memory_space<smem>>, %arg2: memref<15xi32, #tpu.memory_space<smem>>, %arg3: memref<15xi32, #tpu.memory_space<smem>>, %arg4: memref<15xi32, #tpu.memory_space<smem>>) -> (i32, i32, i32) {
    %get3A = arith.index_cast %arg0 : i32 to index
    %get3A_0 = memref.load %arg2[%get3A] : memref<15xi32, #tpu.memory_space<smem>>
    %c0_i32 = arith.constant 0 : i32
    %c0_i32_1 = arith.constant 0 : i32
    %c0_i32_2 = arith.constant 0 : i32
    return %get3A_0, %c0_i32, %c0_i32_1 : i32, i32, i32
  }
  func.func @transform_4(%arg0: i32, %arg1: memref<15xi32, #tpu.memory_space<smem>>, %arg2: memref<15xi32, #tpu.memory_space<smem>>, %arg3: memref<15xi32, #tpu.memory_space<smem>>, %arg4: memref<15xi32, #tpu.memory_space<smem>>) -> (i32, i32, i32) {
    %get3A = arith.index_cast %arg0 : i32 to index
    %get3A_0 = memref.load %arg2[%get3A] : memref<15xi32, #tpu.memory_space<smem>>
    %c0_i32 = arith.constant 0 : i32
    %c0_i32_1 = arith.constant 0 : i32
    %c0_i32_2 = arith.constant 0 : i32
    return %get3A_0, %c0_i32, %c0_i32_1 : i32, i32, i32
  }
  func.func @transform_5(%arg0: i32, %arg1: memref<15xi32, #tpu.memory_space<smem>>, %arg2: memref<15xi32, #tpu.memory_space<smem>>, %arg3: memref<15xi32, #tpu.memory_space<smem>>, %arg4: memref<15xi32, #tpu.memory_space<smem>>) -> (i32, i32) {
    %get3A = arith.index_cast %arg0 : i32 to index
    %get3A_0 = memref.load %arg1[%get3A] : memref<15xi32, #tpu.memory_space<smem>>
    %c0_i32 = arith.constant 0 : i32
    %c0_i32_1 = arith.constant 0 : i32
    return %get3A_0, %c0_i32 : i32, i32
  }
}

module attributes {stable_mosaic.version = 14 : i64} {
  func.func @_add_body(%arg0: i32, %arg1: memref<512x1536xf32, #tpu.memory_space<vmem>>, %arg2: memref<512x2xf32, #tpu.memory_space<vmem>>, %arg3: memref<512x768xf32, #tpu.memory_space<vmem>>) attributes {dimension_semantics = [#tpu.dimension_semantics<arbitrary>], iteration_bounds = array<i64: 4>, scalar_prefetch = 0 : i64, scratch_operands = 0 : i64, tpu.core_type = #tpu.core_type<tc>, window_params = [{transform_indices = @transform_0, window_bounds = array<i64: 512, 1536>}, {transform_indices = @transform_1, window_bounds = array<i64: 512, 2>}, {transform_indices = @transform_2, window_bounds = array<i64: 512, 768>}]} {
    %get3A = arith.constant 0 : index
    %get3A_0 = arith.constant 0 : index
    %get3A_1 = vector.load %arg2[%get3A, %get3A_0] : memref<512x2xf32, #tpu.memory_space<vmem>>, vector<512x1xf32>
    %get3A_2 = arith.constant 0 : index
    %get3A_3 = arith.constant 0 : index
    %get3A_4 = vector.load %arg1[%get3A_2, %get3A_3] : memref<512x1536xf32, #tpu.memory_space<vmem>>, vector<512x768xf32>
    %mul3A = vector.broadcast %get3A_1 : vector<512x1xf32> to vector<512x768xf32>
    %mul3A_5 = arith.mulf %mul3A, %get3A_4 : vector<512x768xf32>
    %get3A_6 = arith.constant 0 : index
    %get3A_7 = arith.constant 1 : index
    %get3A_8 = vector.load %arg2[%get3A_6, %get3A_7] : memref<512x2xf32, #tpu.memory_space<vmem>>, vector<512x1xf32>
    %get3A_9 = arith.constant 0 : index
    %get3A_10 = arith.constant 768 : index
    %get3A_11 = vector.load %arg1[%get3A_9, %get3A_10] : memref<512x1536xf32, #tpu.memory_space<vmem>>, vector<512x768xf32>
    %mul3A_12 = vector.broadcast %get3A_8 : vector<512x1xf32> to vector<512x768xf32>
    %mul3A_13 = arith.mulf %mul3A_12, %get3A_11 : vector<512x768xf32>
    %add3A = arith.addf %mul3A_5, %mul3A_13 : vector<512x768xf32>
    %swap3A = arith.constant 0 : index
    %swap3A_14 = arith.constant 0 : index
    %swap3A_15 = vector.load %arg3[%swap3A, %swap3A_14] : memref<512x768xf32, #tpu.memory_space<vmem>>, vector<512x768xf32>
    tpu.vector_store %arg3[%swap3A, %swap3A_14], %add3A {strides = array<i32>} : memref<512x768xf32, #tpu.memory_space<vmem>>, vector<512x768xf32>,
    return
  }
  func.func @transform_0(%arg0: i32) -> (i32, i32) {
    %c0_i32 = arith.constant 0 : i32
    %c0_i32_0 = arith.constant 0 : i32
    return %arg0, %c0_i32 : i32, i32
  }
  func.func @transform_1(%arg0: i32) -> (i32, i32) {
    %c0_i32 = arith.constant 0 : i32
    %c0_i32_0 = arith.constant 0 : i32
    return %arg0, %c0_i32 : i32, i32
  }
  func.func @transform_2(%arg0: i32) -> (i32, i32) {
    %c0_i32 = arith.constant 0 : i32
    %c0_i32_0 = arith.constant 0 : i32
    return %arg0, %c0_i32 : i32, i32
  }
}

</mosaic_0001>

<sc_bundles>
// kernel: kernel.11.cloned.1.call-start
scs
__scs_entry_jumppad:
0x0: {  	(pc) =	sbr.rel $0x88, $3  }
0x1: {  	(tag) =	ssettag $0x0;
	lr =	simm.s32 $0x1  }
0x2: {  	[smem:$0x3F9A] =	sst lr;
	_ =	strace $0xD0000000  }
0x3: {  	_ = 	snop  }
0x4: {  	_ = 	snop  }
0x5: {  	_ = 	snop  }
0x6: {  	_ = 	snop  }
0x7: {  	_ = 	snop  }
__scs_overlays_trampoline_lowered:
0x8: {  	[smem:$0x3FA9] =	sst s0  }
0x9: {  	[smem:$0x3FAA] =	sst s1  }
0xa: {  	[smem:$0x3FAB] =	sst s2  }
0xb: {  	[smem:$0x3FAC] =	sst s3  }
0xc: {  	[smem:$0x3FAD] =	sst s4  }
0xd: {  	[smem:$0x3FAE] =	sst s5  }
0xe: {  	[smem:$0x3FAF] =	sst s6  }
0xf: {  	[smem:$0x3FB0] =	sst s7  }
0x10: {  	[smem:$0x3FB1] =	sst s8  }
0x11: {  	[smem:$0x3FB2] =	sst s9;
	s0 =	simm.s32 @!p0 $0x0  }
0x12: {  	s1 =	sld [smem:$0x3F98];
	s0 =	simm.s32 @p0 $0x1  }
0x13: {  	[smem:$0x3FB3] =	sst s0;
	s0 =	simm.s32 @!p1 $0x0  }
0x14: {  	s2 =	sld [smem:$0x3F97];
	s0 =	simm.s32 @p1 $0x1  }
0x15: {  	[smem:$0x3FB4] =	sst s0;
	s0 =	simm.s32 @!p2 $0x0  }
0x16: {  	s3 =	sld [smem:$0x3FDB];
	s0 =	simm.s32 @p2 $0x1  }
0x17: {  	s4 =	simm.s32 $0x1BF5;
	[smem:$0x3FB6] =	sst s0  }
0x18: {  	s0 =	sld [smem:$0x3F99];
	_ =	swait.ge [sflag:s4], $0x0  }
0x19: {  	s7 =	sld [smem:$0x3F9A]  }
0x1a: {  	s8 =	sadd.s32 $0xFFFFE003, lr  }
0x1b: {  	s9 =	sadd.s32 $0xFFFFFEF7, lr;
	s5 =	simm.s32 $0xFFFFFFFF;
	p2 =	slt.u32 s8, $0xFFFFF086  }
0x1c: {  	p1 =	slt.u32 s9, $0xF7A;
	s5 =	simm.s32 @!p2 $0x0  }
0x1d: {  	s5 =	simm.s32 @p1 $0x1;
	p0 =	seq.s32 s7, s2  }
0x1e: {  	s7 =	smul.u32 @!p0 $0xF7A, s2;
	p2 =	seq.s32 @!p0 s5, $0x0  }
0x1f: {  	s9 =	smul.u32 $0xF7A, s1;
	s8 =	simm.s32 @!p0 $0x1BF5;
	p2 =	por !p2, p0  }
0x20: {  	[sflag:s8] =	ssyncset.s32 @!p0 $0xFFFFF086;
	s6 =	sadd.s32 @!p0 s3, s7;
	s7 =	simm.s32 @!p0 $0x108  }
0x21: {  	s3 =	sadd.s32 s3, s9;
	s6 =	sadd.s32 @!p0 $0x88, s6;
	s7 =	simm.s32 @p2 $0x1082  }
0x22: {  	[simem:s7], [sflag:s8] =	dma.local @!p0 [hbm:s6], $0xF7A  }
0x23: {  	s9 =	sor.u32 $0xD0000000, s2;
	s6 =	simm.s32 $0x108;
	_ =	swait.ge @!p0 [sflag:s8], $0x0  }
0x24: {  	s3 =	sadd.s32 $0x88, s3;
	s6 =	simm.s32 @!p1 $0x1082;
	[sflag:s4] =	ssyncset.s32 $0xFFFFF086  }
0x25: {  	[simem:s6], [sflag:s4] =	dma.local [hbm:s3], $0xF7A  }
0x26: {  	[smem:$0x3F9A] =	sst s1;
	(tag) =	ssettag s2;
	_ =	strace s9  }
0x27: {  	s1 =	sld [smem:$0x3FAA]  }
0x28: {  	s2 =	sld [smem:$0x3FAB]  }
0x29: {  	s4 =	sld [smem:$0x3FAD]  }
0x2a: {  	p0 =	seq.s32 s5, $0x0;
	s5 =	sld [smem:$0x3FAE]  }
0x2b: {  	s6 =	sld [smem:$0x3FAF]  }
0x2c: {  	s7 =	sld [smem:$0x3FB0]  }
0x2d: {  	s3 =	simm.s32 $0x108;
	s8 =	sld [smem:$0x3FB1]  }
0x2e: {  	s3 =	simm.s32 @!p0 $0x1082;
	s9 =	sld [smem:$0x3FB2]  }
0x2f: {  	lr =	sadd.s32 s0, s3;
	s0 =	sld [smem:$0x3FA9]  }
0x30: {  	s3 =	sld [smem:$0x3FAC]  }
0x31: {  	[smem:$0x3FB5] =	sst s10  }
0x32: {  	s10 =	sld [smem:$0x3FB3];
	_ =	sdelay $0x3  }
0x33: {  	p0 =	seq.s32 s10, $0x1;
	s10 =	sld [smem:$0x3FB5];
	_ =	sdelay $0x3  }
0x34: {  	[smem:$0x3FB5] =	sst s10  }
0x35: {  	s10 =	sld [smem:$0x3FB4];
	_ =	sdelay $0x3  }
0x36: {  	p1 =	seq.s32 s10, $0x1;
	s10 =	sld [smem:$0x3FB5];
	_ =	sdelay $0x3  }
0x37: {  	[smem:$0x3FB5] =	sst s10  }
0x38: {  	s10 =	sld [smem:$0x3FB6]  }
0x39: {  	_ = 	snop;
	(pc) =	sbr.ind lr, $3  }
0x3a: {  	_ = 	snop  }
0x3b: {  	_ = 	snop  }
0x3c: {  	p2 =	seq.s32 s10, $0x1;
	s10 =	sld [smem:$0x3FB5]  }
0x3d: {  	_ =	shalt  }
0x3e: {  	_ =	shalt  }
0x3f: {  	_ =	shalt  }
0x40: {  	_ =	shalt  }
0x41: {  	_ =	shalt  }
0x42: {  	_ =	shalt  }
0x43: {  	_ =	shalt  }
0x44: {  	_ =	shalt  }
0x45: {  	_ =	shalt  }
0x46: {  	_ =	shalt  }
0x47: {  	_ =	shalt  }
0x48: {  	_ =	shalt  }
0x49: {  	_ =	shalt  }
0x4a: {  	_ =	shalt  }
0x4b: {  	_ =	shalt  }
0x4c: {  	_ =	shalt  }
0x4d: {  	_ =	shalt  }
0x4e: {  	_ =	shalt  }
0x4f: {  	_ =	shalt  }
0x50: {  	_ =	shalt  }
0x51: {  	_ =	shalt  }
0x52: {  	_ =	shalt  }
0x53: {  	_ =	shalt  }
0x54: {  	_ =	shalt  }
0x55: {  	_ =	shalt  }
0x56: {  	_ =	shalt  }
0x57: {  	_ =	shalt  }
0x58: {  	_ =	shalt  }
0x59: {  	_ =	shalt  }
0x5a: {  	_ =	shalt  }
0x5b: {  	_ =	shalt  }
0x5c: {  	_ =	shalt  }
0x5d: {  	_ =	shalt  }
0x5e: {  	_ =	shalt  }
0x5f: {  	_ =	shalt  }
0x60: {  	_ =	shalt  }
0x61: {  	_ =	shalt  }
0x62: {  	_ =	shalt  }
0x63: {  	_ =	shalt  }
0x64: {  	_ =	shalt  }
0x65: {  	_ =	shalt  }
0x66: {  	_ =	shalt  }
0x67: {  	_ =	shalt  }
0x68: {  	_ =	shalt  }
0x69: {  	_ =	shalt  }
0x6a: {  	_ =	shalt  }
0x6b: {  	_ =	shalt  }
0x6c: {  	_ =	shalt  }
0x6d: {  	_ =	shalt  }
0x6e: {  	_ =	shalt  }
0x6f: {  	_ =	shalt  }
0x70: {  	_ =	shalt  }
0x71: {  	_ =	shalt  }
0x72: {  	_ =	shalt  }
0x73: {  	_ =	shalt  }
0x74: {  	_ =	shalt  }
0x75: {  	_ =	shalt  }
0x76: {  	_ =	shalt  }
0x77: {  	_ =	shalt  }
0x78: {  	_ =	shalt  }
0x79: {  	_ =	shalt  }
0x7a: {  	_ =	shalt  }
0x7b: {  	_ =	shalt  }
0x7c: {  	_ =	shalt  }
0x7d: {  	_ =	shalt  }
0x7e: {  	_ =	shalt  }
0x7f: {  	_ =	shalt  }
0x80: {  	_ =	shalt  }
0x81: {  	_ =	shalt  }
0x82: {  	_ =	shalt  }
0x83: {  	_ =	shalt  }
0x84: {  	_ =	shalt  }
0x85: {  	_ =	shalt  }
0x86: {  	_ =	shalt  }
0x87: {  	_ =	shalt  }
.Lfunc_end0:
.L_simem_size_0:
called_computation.1_lowered:
.L_overlay_start_0:
0x88: {  	s2 =	sld [smem:$0x3FD9]  }
0x89: {  	s3 =	sld [smem:$0x3FFE];
	_ =	sdelay $0x1  }
0x8a: {  	s1 =	srdreg.scid  }
0x8b: {  	s0 =	sand.u32 $0x1, s1  }
0x8c: {  	s17 =	sshll.u32 s0, $0xA;
	s2 =	sadd.s32 s3, s2  }
0x8d: {  	s2 =	sadd.s32 s2, s17  }
0x8e: {  	[smem:$0x3FC1] =	sst s2  }
0x8f: {  	_ = 	snop  }
0x90: {  	s2 =	sld [smem:$0x3FD0];
	(tm) =	ssettm $0x1  }
0x91: {  	s18 =	sld [smem:$0x3FFB];
	_ =	sdelay $0x3  }
0x92: {  	_ =	strace s18  }
0x93: {  	s3 =	sld [smem:$0x3FFC];
	_ =	sdelay $0x3  }
0x94: {  	_ =	strace s3  }
0x95: {  	s3 =	sld [smem:$0x3FFD];
	_ =	sdelay $0x3  }
0x96: {  	_ =	strace s3  }
0x97: {  	_ =	strace $0x8FFFFFFF  }
0x98: {  	s19 =	sld [smem:$0x3FDB];
	_ =	sdelay $0x1  }
0x99: {  	s4 =	simm.s32 $_scs_section_size  }
0x9a: {  	s5 =	simm.s32 $_size__tile_overlayer_lowered;
	s6 =	simm.s32 $_tile_overlayer_lowered  }
0x9b: {  	s22 =	simm.s32 $0x1BFF;
	s21 =	sshll.u32 s6, $0x1;
	s3 =	sadd.s32 s4, s19  }
0x9c: {  	s7 =	simm.s32 $0x0;
	s20 =	sshll.u32 s5, $0x1;
	s5 =	sadd.s32 s21, s3  }
0x9d: {  	[timem:s7], [sflag:s22] =	dma.local [hbm:s5], s20  }
0x9e: {  	_ =	swait.ge [sflag:s22], s20  }
0x9f: {  	s4 =	ssub.s32 $0x0, s20;
	[sflag:s22] =	ssyncset.done $0x0  }
0xa0: {  	[sflag:s22] =	ssyncadd.s32 s4;
	_ =	sdelay $0x1  }
0xa1: {  	s23 =	simm.s32 $0x1B8B  }
0xa2: {  	_ =	swait.ge [sflag:s23], $0x1  }
0xa3: {  	[sflag:s23] =	ssyncset.done $0x0  }
0xa4: {  	s25 =	simm.s32 $0x1B8E;
	s24 =	sld [smem:$0x3FFE];
	[sflag:s23] =	ssyncadd.s32 $0xFFFFFFFF  }
0xa5: {  	s26 =	simm.s32 $execute0_lowered;
	[smem:$0x3FD2] =	sst s25  }
0xa6: {  	s5 =	sshll.u32 s26, $0x1;
	_ =	strace $0x80000049;
	[dreg:$0x1] =	wrdreg $0xFFFFFFFF  }
0xa7: {  	s28 =	simm.s32 $_size_execute0_lowered;
	s3 =	sadd.s32 s3, s5;
	[dreg:$0x0] =	wrdreg $0x0  }
0xa8: {  	s5 =	sshll.u32 s28, $0x1;
	[dreg:$0x2] =	wrdreg s3  }
0xa9: {  	[dreg:$0x3] =	wrdreg s5  }
0xaa: {  	[dreg:$0x4] =	wrdreg $0xC0  }
0xab: {  	_ =	task [dreg:s7], $0x5FFFF  }
0xac: {  	[dreg:$0x1] =	wrdreg $0xFFFFFFFF  }
0xad: {  	[dreg:$0x0] =	wrdreg $0x60  }
0xae: {  	[dreg:$0x2] =	wrdreg s24  }
0xaf: {  	[dreg:$0x3] =	wrdreg s2  }
0xb0: {  	[dreg:$0x4] =	wrdreg $0x9  }
0xb1: {  	_ =	task.clear_ibuf [dreg:s7], $0x5FFFF;
	_ =	strace $0x90000049  }
0xb2: {  	s29 =	simm.s32 $0x9;
	_ =	strace $0x8000004B  }
0xb3: {  	_ =	swait.ge [sflag:s29], $0x1  }
0xb4: {  	[sflag:s29] =	ssyncadd.s32 $0xFFFFFFFF  }
0xb5: {  	_ =	strace $0x9000004B  }
0xb6: {  	_ =	sfence  }
0xb7: {  	s30 =	sld [smem:$0x0];
	_ =	sdelay $0x2  }
0xb8: {  	s31 =	sshll.u32 s1, $0xD;
	s1 =	sshrl.u32 s1, $0x2  }
0xb9: {  	s3 =	sand.u32 $0x4000, s31;
	s1 =	sadd.s32 s1, s30  }
0xba: {  	s0 =	sor.u32 s3, s0;
	s1 =	sshll.u32 s1, $0x11  }
0xbb: {  	s0 =	sor.u32 s1, s0  }
0xbc: {  	s0 =	sadd.s32 $0x8F2B, s0  }
0xbd: {  	[sflag:s0] =	ssyncadd.remote.s32 $0x1  }
0xbe: {  	_ =	sfence.sel $0xFFFF  }
0xbf: {  	[dreg:$0x0] =	wrdreg $0xFFFFFFFF;
	(pc) =	sbr.abs _section_cstart, $3  }
0xc0: {  	[dreg:$0x1] =	wrdreg $0xFFFFFFFF  }
0xc1: {  	_ =	task.clear_ibuf [dreg:s7], $0x2FFFF;
	_ =	strace $0x9FFFFFFF  }
0xc2: {  	(tm) =	ssettm $0x7FFFFFFF  }
0xc3: {  	_ =	shalt  }
tec
execute0_lowered:
.L_overlay_start_1:
0x0: {  	(tag) =	ssettag $0x1  }
0x1: {  	s1 =	srdreg.scid  }
0x2: {  	s0 =	stileid.u32;
	s1 =	sand.u32 $0x1, s1  }
0x3: {  	s5 =	rddreg [dreg:$0x0];
	s2 =	sshll.u32 s0, $0x5;
	s3 =	sshll.u32 s1, $0x4  }
0x4: {  	s4 =	rddreg [dreg:$0x1];
	s3 =	sor.u32 s3, s2;
	s2 =	simm.s32 $0x0  }
0x5: {  	s6 =	smul.u32 $0x300, s3;
	[smem:$0x7FF] =	sst s2;
	s3 =	sadd.s32 s4, s3  }
0x6: {  	s25 =	simm.s32 $0x880;
	_ =	strace $0x8000004A;
	[dreg:$0x3] =	wrdreg s3  }
0x7: {  	s26 =	simm.s32 $0x1080;
	[dreg:$0x5] =	wrdreg s25  }
0x8: {  	s0 =	simm.s32 $0x1880;
	[dreg:$0x6] =	wrdreg s26  }
0x9: {  	s4 =	simm.s32 $0x2080;
	[dreg:$0x7] =	wrdreg s0  }
0xa: {  	s7 =	simm.s32 $0x3080;
	[dreg:$0x8] =	wrdreg s4  }
0xb: {  	s8 =	simm.s32 $0x3880;
	[dreg:$0xa] =	wrdreg s7  }
0xc: {  	s9 =	simm.s32 $0x4080;
	[dreg:$0xb] =	wrdreg s8  }
0xd: {  	s10 =	simm.s32 $0x4880;
	[dreg:$0xc] =	wrdreg s9  }
0xe: {  	s11 =	simm.s32 $0x5080;
	[dreg:$0xd] =	wrdreg s10  }
0xf: {  	s12 =	simm.s32 $0x5880;
	[dreg:$0xe] =	wrdreg s11  }
0x10: {  	s13 =	simm.s32 $0x6080;
	[dreg:$0xf] =	wrdreg s12  }
0x11: {  	s14 =	simm.s32 $0x6880;
	s15 =	simm.s32 $0x7080;
	[dreg:$0x10] =	wrdreg s13  }
0x12: {  	s16 =	simm.s32 $0x7880;
	s17 =	simm.s32 $0x8080;
	[dreg:$0x11] =	wrdreg s14  }
0x13: {  	s18 =	simm.s32 $0x8880;
	s19 =	simm.s32 $0x9080;
	[dreg:$0x12] =	wrdreg s15  }
0x14: {  	s21 =	simm.s32 $0x9880;
	s22 =	simm.s32 $0xA080;
	[dreg:$0x13] =	wrdreg s16  }
0x15: {  	s23 =	simm.s32 $0xA880;
	s28 =	simm.s32 $0x16080;
	[dreg:$0x14] =	wrdreg s17  }
0x16: {  	s29 =	simm.s32 $0x16880;
	s1 =	ssub.s32 $0x2, s1;
	[dreg:$0x15] =	wrdreg s18  }
0x17: {  	s30 =	simm.s32 $0x17080;
	s20 =	sshrl.u32 s1, $0x1;
	[dreg:$0x16] =	wrdreg s19  }
0x18: {  	s31 =	simm.s32 $0x17880;
	s1 =	ssub.s32 s1, s20;
	[dreg:$0x17] =	wrdreg s21  }
0x19: {  	s20 =	simm.s32 $0x12880;
	s3 =	sadd.s32 $0x1000, s5;
	[dreg:$0x18] =	wrdreg s22  }
0x1a: {  	s4 =	sadd.s32 $0x1100, s5;
	[dreg:$0x19] =	wrdreg s23;
	s7 =	simm.s32 $0xB080  }
0x1b: {  	s25 =	simm.s32 $0xC080;
	s8 =	simm.s32 $0x80;
	s26 =	simm.s32 $0xC880  }
0x1c: {  	s10 =	simm.s32 $0xD880;
	s11 =	simm.s32 $0xE080;
	s12 =	simm.s32 $0xE880  }
0x1d: {  	s13 =	simm.s32 $0xF080;
	s14 =	simm.s32 $0xF880;
	s15 =	simm.s32 $0x10080  }
0x1e: {  	s16 =	simm.s32 $0x10880;
	s17 =	simm.s32 $0x11080;
	s18 =	simm.s32 $0x11880  }
0x1f: {  	s19 =	simm.s32 $0x12080;
	s21 =	simm.s32 $0x13080;
	s22 =	simm.s32 $0x13880  }
0x20: {  	s23 =	simm.s32 $0x14080;
	s6 =	sadd.s32 s6, s5;
	[dreg:$0x1a] =	wrdreg s7  }
0x21: {  	s5 =	sadd.s32 $0x1200, s5;
	s7 =	simm.s32 $0x2;
	[dreg:$0x1c] =	wrdreg s25  }
0x22: {  	[dreg:$0x1d] =	wrdreg s26;
	s25 =	simm.s32 $0x15080;
	s24 =	sadd.s32 $0x61000, s6  }
0x23: {  	v2 =	vlaneseq.u32;
	s26 =	simm.s32 $0x15880;
	s6 =	simm.s32 $0x2880;
	[dreg:$0x4] =	wrdreg s24  }
0x24: {  	vm0 =	vmmov $0xffff;
	v1 =	vshrl.u32 v2, $0x3;
	[dreg:$0x9] =	wrdreg s6;
	s6 =	smax.u32 s1, $0x1;
	s24 =	simm.s32 $0xB880  }
0x25: {  	v0 =	vand.u32 $0x7, v2;
	v2 =	vor.u32 $0x8, v2;
	v1 =	vmul.u32 $0x8, v1;
	s1 =	simm.s32 $0x1;
	[dreg:$0x1b] =	wrdreg s24;
	s24 =	simm.s32 $0x14880  }
.LBB2_1:
0x26: {  	s0 =	rddreg [dreg:$0x3]  }
0x27: {  	[tilespmem:s2], [sflag:$0x2] =	stream.linear.gather [hbm4b:s0+s2], $0x80, $0x38;
	[tilespmem:$0x18080] =	vst v63  }
0x28: {  	_ =	swait.ge [sflag:s7], $0x80  }
0x29: {  	[sflag:s7] =	ssyncset.done $0x0  }
0x2a: {  	[sflag:s7] =	ssyncadd.s32 $0xFFFFFF80  }
0x2b: {  	v3 =	vld [tilespmem:$0x0];
	_ =	sdelay $0x4  }
0x2c: {  	v4 =	vshrl.u32 v3, $0x3  }
0x2d: {  	v4 =	vmul.u32 $0x30, v4  }
0x2e: {  	v3 =	vand.u32 $0x7, v3  }
0x2f: {  	v3 =	vor.u32 v3, v4  }
0x30: {  	v4 =	vperm.xlane v3, v0;
	_ =	sdelay $0x1  }
0x31: {  	v4 =	vadd.s32 v1, v4;
	_ =	sdelay $0x3  }
0x32: {  	v3 =	vperm.xlane v3, v2  }
0x33: {  	[tilespmem:s8], [sflag:$0x1] =	stream.indirect_vreg.gather [hbm4b:s3+s2], $0x80, v4, vm0, $0xb8;
	[tilespmem:$0x18080] =	vst v63  }
0x34: {  	s0 =	rddreg [dreg:$0x5];
	v3 =	vadd.s32 v1, v3  }
0x35: {  	[tilespmem:s0], [sflag:$0x1] =	stream.indirect_vreg.gather [hbm4b:s4+s2], $0x80, v4, vm0, $0xb8;
	[tilespmem:$0x18080] =	vst v63  }
0x36: {  	s9 =	rddreg [dreg:$0x6]  }
0x37: {  	[tilespmem:s9], [sflag:$0x1] =	stream.indirect_vreg.gather [hbm4b:s5+s2], $0x80, v4, vm0, $0xb8;
	[tilespmem:$0x18080] =	vst v63  }
0x38: {  	s0 =	rddreg [dreg:$0x7]  }
0x39: {  	[tilespmem:s0], [sflag:$0x1] =	stream.indirect_vreg.gather [hbm4b:s3+s2], $0x80, v3, vm0, $0xb8;
	[tilespmem:$0x18080] =	vst v63  }
0x3a: {  	s9 =	rddreg [dreg:$0x8]  }
0x3b: {  	[tilespmem:s9], [sflag:$0x1] =	stream.indirect_vreg.gather [hbm4b:s4+s2], $0x80, v3, vm0, $0xb8;
	[tilespmem:$0x18080] =	vst v63  }
0x3c: {  	s0 =	rddreg [dreg:$0x9]  }
0x3d: {  	[tilespmem:s0], [sflag:$0x1] =	stream.indirect_vreg.gather [hbm4b:s5+s2], $0x80, v3, vm0, $0xb8;
	[tilespmem:$0x18080] =	vst v63  }
0x3e: {  	v3 =	vld [tilespmem:$0x10];
	_ =	sdelay $0x4  }
0x3f: {  	v57 =	vshrl.u32 v3, $0x3  }
0x40: {  	v4 =	vmul.u32 $0x30, v57  }
0x41: {  	v3 =	vand.u32 $0x7, v3  }
0x42: {  	v3 =	vor.u32 v3, v4  }
0x43: {  	v4 =	vperm.xlane v3, v0;
	_ =	sdelay $0x1  }
0x44: {  	v4 =	vadd.s32 v1, v4;
	_ =	sdelay $0x3  }
0x45: {  	s0 =	rddreg [dreg:$0xa];
	v3 =	vperm.xlane v3, v2  }
0x46: {  	[tilespmem:s0], [sflag:$0x1] =	stream.indirect_vreg.gather [hbm4b:s3+s2], $0x80, v4, vm0, $0xb8;
	[tilespmem:$0x18080] =	vst v63  }
0x47: {  	s9 =	rddreg [dreg:$0xb];
	v3 =	vadd.s32 v1, v3  }
0x48: {  	[tilespmem:s9], [sflag:$0x1] =	stream.indirect_vreg.gather [hbm4b:s4+s2], $0x80, v4, vm0, $0xb8;
	[tilespmem:$0x18080] =	vst v63  }
0x49: {  	s0 =	rddreg [dreg:$0xc]  }
0x4a: {  	[tilespmem:s0], [sflag:$0x1] =	stream.indirect_vreg.gather [hbm4b:s5+s2], $0x80, v4, vm0, $0xb8;
	[tilespmem:$0x18080] =	vst v63  }
0x4b: {  	s9 =	rddreg [dreg:$0xd]  }
0x4c: {  	[tilespmem:s9], [sflag:$0x1] =	stream.indirect_vreg.gather [hbm4b:s3+s2], $0x80, v3, vm0, $0xb8;
	[tilespmem:$0x18080] =	vst v63  }
0x4d: {  	s0 =	rddreg [dreg:$0xe]  }
0x4e: {  	[tilespmem:s0], [sflag:$0x1] =	stream.indirect_vreg.gather [hbm4b:s4+s2], $0x80, v3, vm0, $0xb8;
	[tilespmem:$0x18080] =	vst v63  }
0x4f: {  	s9 =	rddreg [dreg:$0xf]  }
0x50: {  	[tilespmem:s9], [sflag:$0x1] =	stream.indirect_vreg.gather [hbm4b:s5+s2], $0x80, v3, vm0, $0xb8;
	[tilespmem:$0x18080] =	vst v63  }
0x51: {  	v3 =	vld [tilespmem:$0x20];
	_ =	sdelay $0x4  }
0x52: {  	v58 =	vshrl.u32 v3, $0x3  }
0x53: {  	v4 =	vmul.u32 $0x30, v58  }
0x54: {  	v3 =	vand.u32 $0x7, v3  }
0x55: {  	v3 =	vor.u32 v3, v4  }
0x56: {  	v4 =	vperm.xlane v3, v0;
	_ =	sdelay $0x1  }
0x57: {  	v4 =	vadd.s32 v1, v4;
	_ =	sdelay $0x3  }
0x58: {  	s0 =	rddreg [dreg:$0x10];
	v3 =	vperm.xlane v3, v2  }
0x59: {  	[tilespmem:s0], [sflag:$0x1] =	stream.indirect_vreg.gather [hbm4b:s3+s2], $0x80, v4, vm0, $0xb8;
	[tilespmem:$0x18080] =	vst v63  }
0x5a: {  	s9 =	rddreg [dreg:$0x11];
	v3 =	vadd.s32 v1, v3  }
0x5b: {  	[tilespmem:s9], [sflag:$0x1] =	stream.indirect_vreg.gather [hbm4b:s4+s2], $0x80, v4, vm0, $0xb8;
	[tilespmem:$0x18080] =	vst v63  }
0x5c: {  	s0 =	rddreg [dreg:$0x12]  }
0x5d: {  	[tilespmem:s0], [sflag:$0x1] =	stream.indirect_vreg.gather [hbm4b:s5+s2], $0x80, v4, vm0, $0xb8;
	[tilespmem:$0x18080] =	vst v63  }
0x5e: {  	s9 =	rddreg [dreg:$0x13]  }
0x5f: {  	[tilespmem:s9], [sflag:$0x1] =	stream.indirect_vreg.gather [hbm4b:s3+s2], $0x80, v3, vm0, $0xb8;
	[tilespmem:$0x18080] =	vst v63  }
0x60: {  	s0 =	rddreg [dreg:$0x14]  }
0x61: {  	[tilespmem:s0], [sflag:$0x1] =	stream.indirect_vreg.gather [hbm4b:s4+s2], $0x80, v3, vm0, $0xb8;
	[tilespmem:$0x18080] =	vst v63  }
0x62: {  	s9 =	rddreg [dreg:$0x15]  }
0x63: {  	[tilespmem:s9], [sflag:$0x1] =	stream.indirect_vreg.gather [hbm4b:s5+s2], $0x80, v3, vm0, $0xb8;
	[tilespmem:$0x18080] =	vst v63  }
0x64: {  	v3 =	vld [tilespmem:$0x30];
	_ =	sdelay $0x4  }
0x65: {  	v59 =	vshrl.u32 v3, $0x3  }
0x66: {  	v4 =	vmul.u32 $0x30, v59  }
0x67: {  	v3 =	vand.u32 $0x7, v3  }
0x68: {  	v3 =	vor.u32 v3, v4  }
0x69: {  	v4 =	vperm.xlane v3, v0;
	_ =	sdelay $0x1  }
0x6a: {  	v4 =	vadd.s32 v1, v4;
	_ =	sdelay $0x3  }
0x6b: {  	s0 =	rddreg [dreg:$0x16];
	v3 =	vperm.xlane v3, v2  }
0x6c: {  	[tilespmem:s0], [sflag:$0x1] =	stream.indirect_vreg.gather [hbm4b:s3+s2], $0x80, v4, vm0, $0xb8;
	[tilespmem:$0x18080] =	vst v63  }
0x6d: {  	s9 =	rddreg [dreg:$0x17];
	v3 =	vadd.s32 v1, v3  }
0x6e: {  	[tilespmem:s9], [sflag:$0x1] =	stream.indirect_vreg.gather [hbm4b:s4+s2], $0x80, v4, vm0, $0xb8;
	[tilespmem:$0x18080] =	vst v63  }
0x6f: {  	s0 =	rddreg [dreg:$0x18]  }
0x70: {  	[tilespmem:s0], [sflag:$0x1] =	stream.indirect_vreg.gather [hbm4b:s5+s2], $0x80, v4, vm0, $0xb8;
	[tilespmem:$0x18080] =	vst v63  }
0x71: {  	s9 =	rddreg [dreg:$0x19]  }
0x72: {  	[tilespmem:s9], [sflag:$0x1] =	stream.indirect_vreg.gather [hbm4b:s3+s2], $0x80, v3, vm0, $0xb8;
	[tilespmem:$0x18080] =	vst v63  }
0x73: {  	s0 =	rddreg [dreg:$0x1a]  }
0x74: {  	[tilespmem:s0], [sflag:$0x1] =	stream.indirect_vreg.gather [hbm4b:s4+s2], $0x80, v3, vm0, $0xb8;
	[tilespmem:$0x18080] =	vst v63  }
0x75: {  	s9 =	rddreg [dreg:$0x1b]  }
0x76: {  	[tilespmem:s9], [sflag:$0x1] =	stream.indirect_vreg.gather [hbm4b:s5+s2], $0x80, v3, vm0, $0xb8;
	[tilespmem:$0x18080] =	vst v63  }
0x77: {  	v3 =	vld [tilespmem:$0x40];
	_ =	sdelay $0x4  }
0x78: {  	v60 =	vshrl.u32 v3, $0x3  }
0x79: {  	v4 =	vmul.u32 $0x30, v60  }
0x7a: {  	v3 =	vand.u32 $0x7, v3  }
0x7b: {  	v3 =	vor.u32 v3, v4  }
0x7c: {  	v4 =	vperm.xlane v3, v0;
	_ =	sdelay $0x1  }
0x7d: {  	v4 =	vadd.s32 v1, v4;
	_ =	sdelay $0x3  }
0x7e: {  	s0 =	rddreg [dreg:$0x1c];
	v3 =	vperm.xlane v3, v2  }
0x7f: {  	[tilespmem:s0], [sflag:$0x1] =	stream.indirect_vreg.gather [hbm4b:s3+s2], $0x80, v4, vm0, $0xb8;
	[tilespmem:$0x18080] =	vst v63  }
0x80: {  	s9 =	rddreg [dreg:$0x1d];
	v3 =	vadd.s32 v1, v3  }
0x81: {  	[tilespmem:s9], [sflag:$0x1] =	stream.indirect_vreg.gather [hbm4b:s4+s2], $0x80, v4, vm0, $0xb8;
	[tilespmem:$0x18080] =	vst v63  }
0x82: {  	s9 =	simm.s32 $0xD080  }
0x83: {  	[tilespmem:s9], [sflag:$0x1] =	stream.indirect_vreg.gather [hbm4b:s5+s2], $0x80, v4, vm0, $0xb8;
	[tilespmem:$0x18080] =	vst v63  }
0x84: {  	_ = 	snop  }
0x85: {  	[tilespmem:s10], [sflag:$0x1] =	stream.indirect_vreg.gather [hbm4b:s3+s2], $0x80, v3, vm0, $0xb8;
	[tilespmem:$0x18080] =	vst v63  }
0x86: {  	_ = 	snop  }
0x87: {  	[tilespmem:s11], [sflag:$0x1] =	stream.indirect_vreg.gather [hbm4b:s4+s2], $0x80, v3, vm0, $0xb8;
	[tilespmem:$0x18080] =	vst v63  }
0x88: {  	_ = 	snop  }
0x89: {  	[tilespmem:s12], [sflag:$0x1] =	stream.indirect_vreg.gather [hbm4b:s5+s2], $0x80, v3, vm0, $0xb8;
	[tilespmem:$0x18080] =	vst v63  }
0x8a: {  	v3 =	vld [tilespmem:$0x50];
	_ =	sdelay $0x4  }
0x8b: {  	v61 =	vshrl.u32 v3, $0x3  }
0x8c: {  	v4 =	vmul.u32 $0x30, v61  }
0x8d: {  	v3 =	vand.u32 $0x7, v3  }
0x8e: {  	v3 =	vor.u32 v3, v4  }
0x8f: {  	v4 =	vperm.xlane v3, v0;
	_ =	sdelay $0x1  }
0x90: {  	v4 =	vadd.s32 v1, v4;
	_ =	sdelay $0x3  }
0x91: {  	v3 =	vperm.xlane v3, v2  }
0x92: {  	[tilespmem:s13], [sflag:$0x1] =	stream.indirect_vreg.gather [hbm4b:s3+s2], $0x80, v4, vm0, $0xb8;
	[tilespmem:$0x18080] =	vst v63  }
0x93: {  	v3 =	vadd.s32 v1, v3  }
0x94: {  	[tilespmem:s14], [sflag:$0x1] =	stream.indirect_vreg.gather [hbm4b:s4+s2], $0x80, v4, vm0, $0xb8;
	[tilespmem:$0x18080] =	vst v63  }
0x95: {  	_ = 	snop  }
0x96: {  	[tilespmem:s15], [sflag:$0x1] =	stream.indirect_vreg.gather [hbm4b:s5+s2], $0x80, v4, vm0, $0xb8;
	[tilespmem:$0x18080] =	vst v63  }
0x97: {  	_ = 	snop  }
0x98: {  	[tilespmem:s16], [sflag:$0x1] =	stream.indirect_vreg.gather [hbm4b:s3+s2], $0x80, v3, vm0, $0xb8;
	[tilespmem:$0x18080] =	vst v63  }
0x99: {  	_ = 	snop  }
0x9a: {  	[tilespmem:s17], [sflag:$0x1] =	stream.indirect_vreg.gather [hbm4b:s4+s2], $0x80, v3, vm0, $0xb8;
	[tilespmem:$0x18080] =	vst v63  }
0x9b: {  	_ = 	snop  }
0x9c: {  	[tilespmem:s18], [sflag:$0x1] =	stream.indirect_vreg.gather [hbm4b:s5+s2], $0x80, v3, vm0, $0xb8;
	[tilespmem:$0x18080] =	vst v63  }
0x9d: {  	v3 =	vld [tilespmem:$0x60];
	_ =	sdelay $0x4  }
0x9e: {  	v62 =	vshrl.u32 v3, $0x3  }
0x9f: {  	v4 =	vmul.u32 $0x30, v62  }
0xa0: {  	v3 =	vand.u32 $0x7, v3  }
0xa1: {  	v3 =	vor.u32 v3, v4  }
0xa2: {  	v4 =	vperm.xlane v3, v0;
	_ =	sdelay $0x1  }
0xa3: {  	v4 =	vadd.s32 v1, v4;
	_ =	sdelay $0x3  }
0xa4: {  	v3 =	vperm.xlane v3, v2  }
0xa5: {  	[tilespmem:s19], [sflag:$0x1] =	stream.indirect_vreg.gather [hbm4b:s3+s2], $0x80, v4, vm0, $0xb8;
	[tilespmem:$0x18080] =	vst v63  }
0xa6: {  	v3 =	vadd.s32 v1, v3  }
0xa7: {  	[tilespmem:s20], [sflag:$0x1] =	stream.indirect_vreg.gather [hbm4b:s4+s2], $0x80, v4, vm0, $0xb8;
	[tilespmem:$0x18080] =	vst v63  }
0xa8: {  	_ = 	snop  }
0xa9: {  	[tilespmem:s21], [sflag:$0x1] =	stream.indirect_vreg.gather [hbm4b:s5+s2], $0x80, v4, vm0, $0xb8;
	[tilespmem:$0x18080] =	vst v63  }
0xaa: {  	_ = 	snop  }
0xab: {  	[tilespmem:s22], [sflag:$0x1] =	stream.indirect_vreg.gather [hbm4b:s3+s2], $0x80, v3, vm0, $0xb8;
	[tilespmem:$0x18080] =	vst v63  }
0xac: {  	_ = 	snop  }
0xad: {  	[tilespmem:s23], [sflag:$0x1] =	stream.indirect_vreg.gather [hbm4b:s4+s2], $0x80, v3, vm0, $0xb8;
	[tilespmem:$0x18080] =	vst v63  }
0xae: {  	_ = 	snop  }
0xaf: {  	[tilespmem:s24], [sflag:$0x1] =	stream.indirect_vreg.gather [hbm4b:s5+s2], $0x80, v3, vm0, $0xb8;
	[tilespmem:$0x18080] =	vst v63  }
0xb0: {  	v3 =	vld [tilespmem:$0x70];
	_ =	sdelay $0x4  }
0xb1: {  	v63 =	vshrl.u32 v3, $0x3  }
0xb2: {  	v4 =	vmul.u32 $0x30, v63  }
0xb3: {  	v3 =	vand.u32 $0x7, v3  }
0xb4: {  	v3 =	vor.u32 v3, v4  }
0xb5: {  	v4 =	vperm.xlane v3, v0;
	_ =	sdelay $0x1  }
0xb6: {  	v4 =	vadd.s32 v1, v4;
	_ =	sdelay $0x3  }
0xb7: {  	v3 =	vperm.xlane v3, v2  }
0xb8: {  	[tilespmem:s25], [sflag:$0x1] =	stream.indirect_vreg.gather [hbm4b:s3+s2], $0x80, v4, vm0, $0xb8;
	[tilespmem:$0x18080] =	vst v63  }
0xb9: {  	v3 =	vadd.s32 v1, v3  }
0xba: {  	[tilespmem:s26], [sflag:$0x1] =	stream.indirect_vreg.gather [hbm4b:s4+s2], $0x80, v4, vm0, $0xb8;
	[tilespmem:$0x18080] =	vst v63  }
0xbb: {  	_ = 	snop  }
0xbc: {  	[tilespmem:s28], [sflag:$0x1] =	stream.indirect_vreg.gather [hbm4b:s5+s2], $0x80, v4, vm0, $0xb8;
	[tilespmem:$0x18080] =	vst v63  }
0xbd: {  	_ = 	snop  }
0xbe: {  	[tilespmem:s29], [sflag:$0x1] =	stream.indirect_vreg.gather [hbm4b:s3+s2], $0x80, v3, vm0, $0xb8;
	[tilespmem:$0x18080] =	vst v63  }
0xbf: {  	_ = 	snop  }
0xc0: {  	[tilespmem:s30], [sflag:$0x1] =	stream.indirect_vreg.gather [hbm4b:s4+s2], $0x80, v3, vm0, $0xb8;
	[tilespmem:$0x18080] =	vst v63  }
0xc1: {  	_ = 	snop  }
0xc2: {  	[tilespmem:s31], [sflag:$0x1] =	stream.indirect_vreg.gather [hbm4b:s5+s2], $0x80, v3, vm0, $0xb8;
	[tilespmem:$0x18080] =	vst v63  }
0xc3: {  	_ =	swait.ge [sflag:s1], $0x18000  }
0xc4: {  	p0 =	sne.s32 s6, $0x1;
	[sflag:s1] =	ssyncset.done $0x0  }
.Ltmp0:
0xc5: {  	s9 =	rddreg [dreg:$0x4];
	[sflag:s1] =	ssyncadd.s32 $0xFFFE8000;
	(pc) =	sbr.rel @p0 .LBB2_1-.Ltmp0, $4  }
0xc6: {  	[hbm4b:s9+s2] =	stream.linear.scatter [tilespmem:s8], [sflag:$0x2], $0x18000, $0x38;
	[tilespmem:$0x18080] =	vst v63  }
0xc7: {  	_ =	swait.ge [sflag:s7], $0x18000  }
0xc8: {  	[sflag:s7] =	ssyncset.done $0x0  }
0xc9: {  	s6 =	sadd.s32 $0xFFFFFFFF, s6;
	[sflag:s7] =	ssyncadd.s32 $0xFFFE8000  }
0xca: {  	_ =	sfence.sel $0x180000  }
0xcb: {  	[bflag:$0x0] =	sbarrier.arrive $0xFFFF  }
0xcc: {  	_ =	strace $0x9000004A  }
0xcd: {  	s0 =	stileid.u32;
	[bflag:$0x2] =	sbarrier.arrive $0xFFFF  }
0xce: {  	p0 =	sne.s32 s0, $0x0;
	s0 =	rddreg [dreg:$0x2]  }
0xcf: {  	s0 =	sadd.s32 @!p0 $0x100000, s0  }
0xd0: {  	[sflag:s0] =	ssyncadd.tile.s32 @!p0 $0x1;
	_ =	shalt  }
.Lfunc_end2:
_tile_overlayer_lowered:
.L_overlay_start_2:
0xd1: {  	(tag) =	ssettag $0x2  }
0xd2: {  	s0 =	rddreg [dreg:$0x0];
	s2 =	stileid.u32  }
0xd3: {  	s1 =	rddreg [dreg:$0x1];
	p0 =	sne.s32 s2, $0x0  }
0xd4: {  	s3 =	rddreg [dreg:$0x2];
	[bflag:$0x3] =	sbarrier.arrive $0xFFFF;
	s2 =	simm.s32 @!p0 $0x1C02  }
0xd5: {  	[timem:s3], [sflag:s2] =	dma.local @!p0 [hbm:s0], s1  }
0xd6: {  	s0 =	simm.s32 @!p0 $0x2  }
0xd7: {  	_ =	swait.ge @!p0 [sflag:s0], s1  }
0xd8: {  	s1 =	ssub.s32 @!p0 $0x0, s1;
	[sflag:s0] =	ssyncset.done @!p0 $0x0  }
0xd9: {  	[sflag:s0] =	ssyncadd.s32 @!p0 s1  }
0xda: {  	[bflag:$0x3] =	sbarrier.arrive $0xFFFF  }
0xdb: {  	_ =	shalt  }

// kernel: kernel.8.cloned.1.call-start
scs
__scs_entry_jumppad:
0x0: {  	(pc) =	sbr.rel $0x88, $3  }
0x1: {  	(tag) =	ssettag $0x0;
	lr =	simm.s32 $0x1  }
0x2: {  	[smem:$0x3F9A] =	sst lr;
	_ =	strace $0xD0000000  }
0x3: {  	_ = 	snop  }
0x4: {  	_ = 	snop  }
0x5: {  	_ = 	snop  }
0x6: {  	_ = 	snop  }
0x7: {  	_ = 	snop  }
__scs_overlays_trampoline_lowered:
0x8: {  	[smem:$0x3FA9] =	sst s0  }
0x9: {  	[smem:$0x3FAA] =	sst s1  }
0xa: {  	[smem:$0x3FAB] =	sst s2  }
0xb: {  	[smem:$0x3FAC] =	sst s3  }
0xc: {  	[smem:$0x3FAD] =	sst s4  }
0xd: {  	[smem:$0x3FAE] =	sst s5  }
0xe: {  	[smem:$0x3FAF] =	sst s6  }
0xf: {  	[smem:$0x3FB0] =	sst s7  }
0x10: {  	[smem:$0x3FB1] =	sst s8  }
0x11: {  	[smem:$0x3FB2] =	sst s9;
	s0 =	simm.s32 @!p0 $0x0  }
0x12: {  	s1 =	sld [smem:$0x3F98];
	s0 =	simm.s32 @p0 $0x1  }
0x13: {  	[smem:$0x3FB3] =	sst s0;
	s0 =	simm.s32 @!p1 $0x0  }
0x14: {  	s2 =	sld [smem:$0x3F97];
	s0 =	simm.s32 @p1 $0x1  }
0x15: {  	[smem:$0x3FB4] =	sst s0;
	s0 =	simm.s32 @!p2 $0x0  }
0x16: {  	s3 =	sld [smem:$0x3FDB];
	s0 =	simm.s32 @p2 $0x1  }
0x17: {  	s4 =	simm.s32 $0x1BF5;
	[smem:$0x3FB6] =	sst s0  }
0x18: {  	s0 =	sld [smem:$0x3F99];
	_ =	swait.ge [sflag:s4], $0x0  }
0x19: {  	s7 =	sld [smem:$0x3F9A]  }
0x1a: {  	s8 =	sadd.s32 $0xFFFFE003, lr  }
0x1b: {  	s9 =	sadd.s32 $0xFFFFFEF7, lr;
	s5 =	simm.s32 $0xFFFFFFFF;
	p2 =	slt.u32 s8, $0xFFFFF086  }
0x1c: {  	p1 =	slt.u32 s9, $0xF7A;
	s5 =	simm.s32 @!p2 $0x0  }
0x1d: {  	s5 =	simm.s32 @p1 $0x1;
	p0 =	seq.s32 s7, s2  }
0x1e: {  	s7 =	smul.u32 @!p0 $0xF7A, s2;
	p2 =	seq.s32 @!p0 s5, $0x0  }
0x1f: {  	s9 =	smul.u32 $0xF7A, s1;
	s8 =	simm.s32 @!p0 $0x1BF5;
	p2 =	por !p2, p0  }
0x20: {  	[sflag:s8] =	ssyncset.s32 @!p0 $0xFFFFF086;
	s6 =	sadd.s32 @!p0 s3, s7;
	s7 =	simm.s32 @!p0 $0x108  }
0x21: {  	s3 =	sadd.s32 s3, s9;
	s6 =	sadd.s32 @!p0 $0x88, s6;
	s7 =	simm.s32 @p2 $0x1082  }
0x22: {  	[simem:s7], [sflag:s8] =	dma.local @!p0 [hbm:s6], $0xF7A  }
0x23: {  	s9 =	sor.u32 $0xD0000000, s2;
	s6 =	simm.s32 $0x108;
	_ =	swait.ge @!p0 [sflag:s8], $0x0  }
0x24: {  	s3 =	sadd.s32 $0x88, s3;
	s6 =	simm.s32 @!p1 $0x1082;
	[sflag:s4] =	ssyncset.s32 $0xFFFFF086  }
0x25: {  	[simem:s6], [sflag:s4] =	dma.local [hbm:s3], $0xF7A  }
0x26: {  	[smem:$0x3F9A] =	sst s1;
	(tag) =	ssettag s2;
	_ =	strace s9  }
0x27: {  	s1 =	sld [smem:$0x3FAA]  }
0x28: {  	s2 =	sld [smem:$0x3FAB]  }
0x29: {  	s4 =	sld [smem:$0x3FAD]  }
0x2a: {  	p0 =	seq.s32 s5, $0x0;
	s5 =	sld [smem:$0x3FAE]  }
0x2b: {  	s6 =	sld [smem:$0x3FAF]  }
0x2c: {  	s7 =	sld [smem:$0x3FB0]  }
0x2d: {  	s3 =	simm.s32 $0x108;
	s8 =	sld [smem:$0x3FB1]  }
0x2e: {  	s3 =	simm.s32 @!p0 $0x1082;
	s9 =	sld [smem:$0x3FB2]  }
0x2f: {  	lr =	sadd.s32 s0, s3;
	s0 =	sld [smem:$0x3FA9]  }
0x30: {  	s3 =	sld [smem:$0x3FAC]  }
0x31: {  	[smem:$0x3FB5] =	sst s10  }
0x32: {  	s10 =	sld [smem:$0x3FB3];
	_ =	sdelay $0x3  }
0x33: {  	p0 =	seq.s32 s10, $0x1;
	s10 =	sld [smem:$0x3FB5];
	_ =	sdelay $0x3  }
0x34: {  	[smem:$0x3FB5] =	sst s10  }
0x35: {  	s10 =	sld [smem:$0x3FB4];
	_ =	sdelay $0x3  }
0x36: {  	p1 =	seq.s32 s10, $0x1;
	s10 =	sld [smem:$0x3FB5];
	_ =	sdelay $0x3  }
0x37: {  	[smem:$0x3FB5] =	sst s10  }
0x38: {  	s10 =	sld [smem:$0x3FB6]  }
0x39: {  	_ = 	snop;
	(pc) =	sbr.ind lr, $3  }
0x3a: {  	_ = 	snop  }
0x3b: {  	_ = 	snop  }
0x3c: {  	p2 =	seq.s32 s10, $0x1;
	s10 =	sld [smem:$0x3FB5]  }
0x3d: {  	_ =	shalt  }
0x3e: {  	_ =	shalt  }
0x3f: {  	_ =	shalt  }
0x40: {  	_ =	shalt  }
0x41: {  	_ =	shalt  }
0x42: {  	_ =	shalt  }
0x43: {  	_ =	shalt  }
0x44: {  	_ =	shalt  }
0x45: {  	_ =	shalt  }
0x46: {  	_ =	shalt  }
0x47: {  	_ =	shalt  }
0x48: {  	_ =	shalt  }
0x49: {  	_ =	shalt  }
0x4a: {  	_ =	shalt  }
0x4b: {  	_ =	shalt  }
0x4c: {  	_ =	shalt  }
0x4d: {  	_ =	shalt  }
0x4e: {  	_ =	shalt  }
0x4f: {  	_ =	shalt  }
0x50: {  	_ =	shalt  }
0x51: {  	_ =	shalt  }
0x52: {  	_ =	shalt  }
0x53: {  	_ =	shalt  }
0x54: {  	_ =	shalt  }
0x55: {  	_ =	shalt  }
0x56: {  	_ =	shalt  }
0x57: {  	_ =	shalt  }
0x58: {  	_ =	shalt  }
0x59: {  	_ =	shalt  }
0x5a: {  	_ =	shalt  }
0x5b: {  	_ =	shalt  }
0x5c: {  	_ =	shalt  }
0x5d: {  	_ =	shalt  }
0x5e: {  	_ =	shalt  }
0x5f: {  	_ =	shalt  }
0x60: {  	_ =	shalt  }
0x61: {  	_ =	shalt  }
0x62: {  	_ =	shalt  }
0x63: {  	_ =	shalt  }
0x64: {  	_ =	shalt  }
0x65: {  	_ =	shalt  }
0x66: {  	_ =	shalt  }
0x67: {  	_ =	shalt  }
0x68: {  	_ =	shalt  }
0x69: {  	_ =	shalt  }
0x6a: {  	_ =	shalt  }
0x6b: {  	_ =	shalt  }
0x6c: {  	_ =	shalt  }
0x6d: {  	_ =	shalt  }
0x6e: {  	_ =	shalt  }
0x6f: {  	_ =	shalt  }
0x70: {  	_ =	shalt  }
0x71: {  	_ =	shalt  }
0x72: {  	_ =	shalt  }
0x73: {  	_ =	shalt  }
0x74: {  	_ =	shalt  }
0x75: {  	_ =	shalt  }
0x76: {  	_ =	shalt  }
0x77: {  	_ =	shalt  }
0x78: {  	_ =	shalt  }
0x79: {  	_ =	shalt  }
0x7a: {  	_ =	shalt  }
0x7b: {  	_ =	shalt  }
0x7c: {  	_ =	shalt  }
0x7d: {  	_ =	shalt  }
0x7e: {  	_ =	shalt  }
0x7f: {  	_ =	shalt  }
0x80: {  	_ =	shalt  }
0x81: {  	_ =	shalt  }
0x82: {  	_ =	shalt  }
0x83: {  	_ =	shalt  }
0x84: {  	_ =	shalt  }
0x85: {  	_ =	shalt  }
0x86: {  	_ =	shalt  }
0x87: {  	_ =	shalt  }
.Lfunc_end0:
.L_simem_size_0:
called_computation_lowered:
.L_overlay_start_0:
0x88: {  	s2 =	sld [smem:$0x3FD9]  }
0x89: {  	s3 =	sld [smem:$0x3FFE];
	_ =	sdelay $0x1  }
0x8a: {  	s1 =	srdreg.scid  }
0x8b: {  	s0 =	sand.u32 $0x1, s1  }
0x8c: {  	s17 =	sshll.u32 s0, $0xA;
	s2 =	sadd.s32 s3, s2  }
0x8d: {  	s2 =	sadd.s32 s2, s17  }
0x8e: {  	[smem:$0x3FC1] =	sst s2  }
0x8f: {  	_ = 	snop  }
0x90: {  	s2 =	sld [smem:$0x3FC9];
	(tm) =	ssettm $0x1  }
0x91: {  	s18 =	sld [smem:$0x3FFB];
	_ =	sdelay $0x3  }
0x92: {  	_ =	strace s18  }
0x93: {  	s3 =	sld [smem:$0x3FFC];
	_ =	sdelay $0x3  }
0x94: {  	_ =	strace s3  }
0x95: {  	s3 =	sld [smem:$0x3FFD];
	_ =	sdelay $0x3  }
0x96: {  	_ =	strace s3  }
0x97: {  	_ =	strace $0x8FFFFFFF  }
0x98: {  	s19 =	sld [smem:$0x3FDB];
	_ =	sdelay $0x1  }
0x99: {  	s4 =	simm.s32 $_scs_section_size  }
0x9a: {  	s5 =	simm.s32 $_size__tile_overlayer_lowered;
	s6 =	simm.s32 $_tile_overlayer_lowered  }
0x9b: {  	s22 =	simm.s32 $0x1BFF;
	s21 =	sshll.u32 s6, $0x1;
	s3 =	sadd.s32 s4, s19  }
0x9c: {  	s7 =	simm.s32 $0x0;
	s20 =	sshll.u32 s5, $0x1;
	s5 =	sadd.s32 s21, s3  }
0x9d: {  	[timem:s7], [sflag:s22] =	dma.local [hbm:s5], s20  }
0x9e: {  	_ =	swait.ge [sflag:s22], s20  }
0x9f: {  	s4 =	ssub.s32 $0x0, s20;
	[sflag:s22] =	ssyncset.done $0x0  }
0xa0: {  	[sflag:s22] =	ssyncadd.s32 s4;
	_ =	sdelay $0x1  }
0xa1: {  	s23 =	simm.s32 $0x1B8B  }
0xa2: {  	_ =	swait.ge [sflag:s23], $0x1  }
0xa3: {  	[sflag:s23] =	ssyncset.done $0x0  }
0xa4: {  	s25 =	simm.s32 $0x1B8E;
	s24 =	sld [smem:$0x3FFE];
	[sflag:s23] =	ssyncadd.s32 $0xFFFFFFFF  }
0xa5: {  	s26 =	simm.s32 $execute0_lowered;
	[smem:$0x3FD2] =	sst s25  }
0xa6: {  	s5 =	sshll.u32 s26, $0x1;
	_ =	strace $0x80000046;
	[dreg:$0x1] =	wrdreg $0xFFFFFFFF  }
0xa7: {  	s28 =	simm.s32 $_size_execute0_lowered;
	s3 =	sadd.s32 s3, s5;
	[dreg:$0x0] =	wrdreg $0x0  }
0xa8: {  	s5 =	sshll.u32 s28, $0x1;
	[dreg:$0x2] =	wrdreg s3  }
0xa9: {  	[dreg:$0x3] =	wrdreg s5  }
0xaa: {  	[dreg:$0x4] =	wrdreg $0xC0  }
0xab: {  	_ =	task [dreg:s7], $0x5FFFF  }
0xac: {  	[dreg:$0x1] =	wrdreg $0xFFFFFFFF  }
0xad: {  	[dreg:$0x0] =	wrdreg $0x60  }
0xae: {  	[dreg:$0x2] =	wrdreg s2  }
0xaf: {  	[dreg:$0x3] =	wrdreg s24  }
0xb0: {  	[dreg:$0x4] =	wrdreg $0x9  }
0xb1: {  	_ =	task.clear_ibuf [dreg:s7], $0x5FFFF;
	_ =	strace $0x90000046  }
0xb2: {  	s29 =	simm.s32 $0x9;
	_ =	strace $0x80000048  }
0xb3: {  	_ =	swait.ge [sflag:s29], $0x1  }
0xb4: {  	[sflag:s29] =	ssyncadd.s32 $0xFFFFFFFF  }
0xb5: {  	_ =	strace $0x90000048  }
0xb6: {  	_ =	sfence  }
0xb7: {  	s30 =	sld [smem:$0x0];
	_ =	sdelay $0x2  }
0xb8: {  	s31 =	sshll.u32 s1, $0xD;
	s1 =	sshrl.u32 s1, $0x2  }
0xb9: {  	s3 =	sand.u32 $0x4000, s31;
	s1 =	sadd.s32 s1, s30  }
0xba: {  	s0 =	sor.u32 s3, s0;
	s1 =	sshll.u32 s1, $0x11  }
0xbb: {  	s0 =	sor.u32 s1, s0  }
0xbc: {  	s0 =	sadd.s32 $0x8F2B, s0  }
0xbd: {  	[sflag:s0] =	ssyncadd.remote.s32 $0x1  }
0xbe: {  	_ =	sfence.sel $0xFFFF  }
0xbf: {  	[dreg:$0x0] =	wrdreg $0xFFFFFFFF;
	(pc) =	sbr.abs _section_cstart, $3  }
0xc0: {  	[dreg:$0x1] =	wrdreg $0xFFFFFFFF  }
0xc1: {  	_ =	task.clear_ibuf [dreg:s7], $0x2FFFF;
	_ =	strace $0x9FFFFFFF  }
0xc2: {  	(tm) =	ssettm $0x7FFFFFFF  }
0xc3: {  	_ =	shalt  }
tec
execute0_lowered:
.L_overlay_start_1:
0x0: {  	(tag) =	ssettag $0x1  }
0x1: {  	s0 =	srdreg.scid;
	s1 =	rddreg [dreg:$0x0]  }
0x2: {  	s2 =	stileid.u32;
	s5 =	rddreg [dreg:$0x1]  }
0x3: {  	s25 =	simm.s32 $0xC000;
	s26 =	simm.s32 $0xC080;
	s7 =	simm.s32 $0x1  }
0x4: {  	s8 =	simm.s32 $0x2;
	s9 =	simm.s32 $0x3;
	s14 =	simm.s32 $0x2800  }
0x5: {  	s15 =	simm.s32 $0x3000;
	s16 =	simm.s32 $0x3800;
	s17 =	simm.s32 $0x4000  }
0x6: {  	s18 =	simm.s32 $0x4800;
	s19 =	simm.s32 $0x5000;
	s20 =	simm.s32 $0x5800  }
0x7: {  	s21 =	simm.s32 $0x6000;
	s22 =	simm.s32 $0x6800;
	s23 =	simm.s32 $0x7000  }
0x8: {  	s28 =	simm.s32 $0x9000;
	s29 =	simm.s32 $0x9800;
	s30 =	simm.s32 $0xA000  }
0x9: {  	s0 =	sand.u32 $0x1, s0;
	s3 =	sshll.u32 s2, $0x4;
	s2 =	simm.s32 $0x0  }
0xa: {  	s31 =	simm.s32 $0xA800;
	s4 =	sshll.u32 s0, $0x3;
	[smem:$0x7FF] =	sst s2  }
0xb: {  	s0 =	ssub.s32 $0x2, s0;
	_ =	strace $0x80000047;
	[dreg:$0x6] =	wrdreg s25  }
0xc: {  	s3 =	sor.u32 s4, s3;
	s24 =	sshrl.u32 s0, $0x1;
	[dreg:$0x7] =	wrdreg s26  }
0xd: {  	s25 =	simm.s32 $0x8000;
	s26 =	simm.s32 $0x8800;
	s4 =	sadd.s32 s3, s5  }
0xe: {  	s3 =	smul.u32 $0x300, s3;
	s0 =	ssub.s32 s0, s24;
	s6 =	sadd.s32 $0x1200, s4  }
0xf: {  	s24 =	simm.s32 $0x7800;
	s4 =	sadd.s32 $0x1000, s4;
	[dreg:$0x3] =	wrdreg s6  }
0x10: {  	v2 =	vlaneseq.u32;
	[dreg:$0x4] =	wrdreg s4;
	s1 =	sadd.s32 s1, s3;
	s3 =	sadd.s32 $0x1400, s5  }
0x11: {  	vm0 =	vmmov $0xffff;
	v1 =	vshrl.u32 v2, $0x3;
	s4 =	sadd.s32 $0x1500, s5;
	s5 =	sadd.s32 $0x1600, s5;
	s6 =	smax.u32 s0, $0x1  }
0x12: {  	v0 =	vand.u32 $0x7, v2;
	v2 =	vor.u32 $0x8, v2;
	v1 =	vmul.u32 $0x8, v1;
	s0 =	simm.s32 $0xB800;
	[dreg:$0x5] =	wrdreg s1;
	s1 =	simm.s32 $0xB000  }
.LBB2_1:
0x13: {  	s10 =	rddreg [dreg:$0x3]  }
0x14: {  	s11 =	rddreg [dreg:$0x6]  }
0x15: {  	s12 =	rddreg [dreg:$0x4]  }
0x16: {  	[tilespmem:s11], [sflag:$0x1] =	stream.linear.gather [hbm4b:s10+s2], $0x40, $0x38;
	[tilespmem:$0xC100] =	vst v63  }
0x17: {  	s13 =	rddreg [dreg:$0x7]  }
0x18: {  	[tilespmem:s13], [sflag:$0x2] =	stream.linear.gather [hbm4b:s12+s2], $0x40, $0x38;
	[tilespmem:$0xC100] =	vst v63  }
0x19: {  	s11 =	rddreg [dreg:$0x5]  }
0x1a: {  	[tilespmem:s2], [sflag:$0x3] =	stream.linear.gather [hbm4b:s11+s2], $0xC000, $0x38;
	[tilespmem:$0xC100] =	vst v63  }
0x1b: {  	_ =	swait.ge [sflag:s7], $0x40  }
0x1c: {  	[sflag:s7] =	ssyncset.done $0x0  }
0x1d: {  	[sflag:s7] =	ssyncadd.s32 $0xFFFFFFC0  }
0x1e: {  	_ =	swait.ge [sflag:s8], $0x40  }
0x1f: {  	[sflag:s8] =	ssyncset.done $0x0  }
0x20: {  	[sflag:s8] =	ssyncadd.s32 $0xFFFFFFC0  }
0x21: {  	_ =	swait.ge [sflag:s9], $0xC000  }
0x22: {  	[sflag:s9] =	ssyncset.done $0x0  }
0x23: {  	[sflag:s9] =	ssyncadd.s32 $0xFFFF4000  }
0x24: {  	v3 =	vld [tilespmem:$0xC000];
	_ =	sdelay $0x4  }
0x25: {  	v4 =	vshrl.u32 v3, $0x3  }
0x26: {  	v4 =	vmul.u32 $0x30, v4  }
0x27: {  	v3 =	vand.u32 $0x7, v3  }
0x28: {  	v3 =	vor.u32 v3, v4  }
0x29: {  	v4 =	vperm.xlane v3, v0;
	_ =	sdelay $0x1  }
0x2a: {  	v4 =	vadd.s32 v1, v4;
	_ =	sdelay $0x3  }
0x2b: {  	v3 =	vperm.xlane v3, v2  }
0x2c: {  	[hbm4b:s3+s2] =	stream.indirect_vreg.scatter [tilespmem:s2], [sflag:$0x1], $0x80, v4, vm0, $0xb8;
	[tilespmem:$0xC100] =	vst v63  }
0x2d: {  	s10 =	simm.s32 $0x800;
	v3 =	vadd.s32 v1, v3  }
0x2e: {  	[hbm4b:s4+s2] =	stream.indirect_vreg.scatter [tilespmem:s10], [sflag:$0x1], $0x80, v4, vm0, $0xb8;
	[tilespmem:$0xC100] =	vst v63  }
0x2f: {  	s11 =	simm.s32 $0x1000  }
0x30: {  	[hbm4b:s5+s2] =	stream.indirect_vreg.scatter [tilespmem:s11], [sflag:$0x1], $0x80, v4, vm0, $0xb8;
	[tilespmem:$0xC100] =	vst v63  }
0x31: {  	s12 =	simm.s32 $0x1800  }
0x32: {  	[hbm4b:s3+s2] =	stream.indirect_vreg.scatter [tilespmem:s12], [sflag:$0x1], $0x80, v3, vm0, $0xb8;
	[tilespmem:$0xC100] =	vst v63  }
0x33: {  	s13 =	simm.s32 $0x2000  }
0x34: {  	[hbm4b:s4+s2] =	stream.indirect_vreg.scatter [tilespmem:s13], [sflag:$0x1], $0x80, v3, vm0, $0xb8;
	[tilespmem:$0xC100] =	vst v63  }
0x35: {  	_ = 	snop  }
0x36: {  	[hbm4b:s5+s2] =	stream.indirect_vreg.scatter [tilespmem:s14], [sflag:$0x1], $0x80, v3, vm0, $0xb8;
	[tilespmem:$0xC100] =	vst v63  }
0x37: {  	v3 =	vld [tilespmem:$0xC010];
	_ =	sdelay $0x4  }
0x38: {  	v57 =	vshrl.u32 v3, $0x3  }
0x39: {  	v4 =	vmul.u32 $0x30, v57  }
0x3a: {  	v3 =	vand.u32 $0x7, v3  }
0x3b: {  	v3 =	vor.u32 v3, v4  }
0x3c: {  	v4 =	vperm.xlane v3, v0;
	_ =	sdelay $0x1  }
0x3d: {  	v4 =	vadd.s32 v1, v4;
	_ =	sdelay $0x3  }
0x3e: {  	v3 =	vperm.xlane v3, v2  }
0x3f: {  	[hbm4b:s3+s2] =	stream.indirect_vreg.scatter [tilespmem:s15], [sflag:$0x1], $0x80, v4, vm0, $0xb8;
	[tilespmem:$0xC100] =	vst v63  }
0x40: {  	v3 =	vadd.s32 v1, v3  }
0x41: {  	[hbm4b:s4+s2] =	stream.indirect_vreg.scatter [tilespmem:s16], [sflag:$0x1], $0x80, v4, vm0, $0xb8;
	[tilespmem:$0xC100] =	vst v63  }
0x42: {  	_ = 	snop  }
0x43: {  	[hbm4b:s5+s2] =	stream.indirect_vreg.scatter [tilespmem:s17], [sflag:$0x1], $0x80, v4, vm0, $0xb8;
	[tilespmem:$0xC100] =	vst v63  }
0x44: {  	_ = 	snop  }
0x45: {  	[hbm4b:s3+s2] =	stream.indirect_vreg.scatter [tilespmem:s18], [sflag:$0x1], $0x80, v3, vm0, $0xb8;
	[tilespmem:$0xC100] =	vst v63  }
0x46: {  	_ = 	snop  }
0x47: {  	[hbm4b:s4+s2] =	stream.indirect_vreg.scatter [tilespmem:s19], [sflag:$0x1], $0x80, v3, vm0, $0xb8;
	[tilespmem:$0xC100] =	vst v63  }
0x48: {  	_ = 	snop  }
0x49: {  	[hbm4b:s5+s2] =	stream.indirect_vreg.scatter [tilespmem:s20], [sflag:$0x1], $0x80, v3, vm0, $0xb8;
	[tilespmem:$0xC100] =	vst v63  }
0x4a: {  	v3 =	vld [tilespmem:$0xC020];
	_ =	sdelay $0x4  }
0x4b: {  	v58 =	vshrl.u32 v3, $0x3  }
0x4c: {  	v4 =	vmul.u32 $0x30, v58  }
0x4d: {  	v3 =	vand.u32 $0x7, v3  }
0x4e: {  	v3 =	vor.u32 v3, v4  }
0x4f: {  	v4 =	vperm.xlane v3, v0;
	_ =	sdelay $0x1  }
0x50: {  	v4 =	vadd.s32 v1, v4;
	_ =	sdelay $0x3  }
0x51: {  	v3 =	vperm.xlane v3, v2  }
0x52: {  	[hbm4b:s3+s2] =	stream.indirect_vreg.scatter [tilespmem:s21], [sflag:$0x1], $0x80, v4, vm0, $0xb8;
	[tilespmem:$0xC100] =	vst v63  }
0x53: {  	v3 =	vadd.s32 v1, v3  }
0x54: {  	[hbm4b:s4+s2] =	stream.indirect_vreg.scatter [tilespmem:s22], [sflag:$0x1], $0x80, v4, vm0, $0xb8;
	[tilespmem:$0xC100] =	vst v63  }
0x55: {  	_ = 	snop  }
0x56: {  	[hbm4b:s5+s2] =	stream.indirect_vreg.scatter [tilespmem:s23], [sflag:$0x1], $0x80, v4, vm0, $0xb8;
	[tilespmem:$0xC100] =	vst v63  }
0x57: {  	_ = 	snop  }
0x58: {  	[hbm4b:s3+s2] =	stream.indirect_vreg.scatter [tilespmem:s24], [sflag:$0x1], $0x80, v3, vm0, $0xb8;
	[tilespmem:$0xC100] =	vst v63  }
0x59: {  	_ = 	snop  }
0x5a: {  	[hbm4b:s4+s2] =	stream.indirect_vreg.scatter [tilespmem:s25], [sflag:$0x1], $0x80, v3, vm0, $0xb8;
	[tilespmem:$0xC100] =	vst v63  }
0x5b: {  	_ = 	snop  }
0x5c: {  	[hbm4b:s5+s2] =	stream.indirect_vreg.scatter [tilespmem:s26], [sflag:$0x1], $0x80, v3, vm0, $0xb8;
	[tilespmem:$0xC100] =	vst v63  }
0x5d: {  	v3 =	vld [tilespmem:$0xC030];
	_ =	sdelay $0x4  }
0x5e: {  	v59 =	vshrl.u32 v3, $0x3  }
0x5f: {  	v4 =	vmul.u32 $0x30, v59  }
0x60: {  	v3 =	vand.u32 $0x7, v3  }
0x61: {  	v3 =	vor.u32 v3, v4  }
0x62: {  	v4 =	vperm.xlane v3, v0;
	_ =	sdelay $0x1  }
0x63: {  	v4 =	vadd.s32 v1, v4;
	_ =	sdelay $0x3  }
0x64: {  	v3 =	vperm.xlane v3, v2  }
0x65: {  	[hbm4b:s3+s2] =	stream.indirect_vreg.scatter [tilespmem:s28], [sflag:$0x1], $0x80, v4, vm0, $0xb8;
	[tilespmem:$0xC100] =	vst v63  }
0x66: {  	v3 =	vadd.s32 v1, v3  }
0x67: {  	[hbm4b:s4+s2] =	stream.indirect_vreg.scatter [tilespmem:s29], [sflag:$0x1], $0x80, v4, vm0, $0xb8;
	[tilespmem:$0xC100] =	vst v63  }
0x68: {  	_ = 	snop  }
0x69: {  	[hbm4b:s5+s2] =	stream.indirect_vreg.scatter [tilespmem:s30], [sflag:$0x1], $0x80, v4, vm0, $0xb8;
	[tilespmem:$0xC100] =	vst v63  }
0x6a: {  	_ = 	snop  }
0x6b: {  	[hbm4b:s3+s2] =	stream.indirect_vreg.scatter [tilespmem:s31], [sflag:$0x1], $0x80, v3, vm0, $0xb8;
	[tilespmem:$0xC100] =	vst v63  }
0x6c: {  	_ = 	snop  }
0x6d: {  	[hbm4b:s4+s2] =	stream.indirect_vreg.scatter [tilespmem:s1], [sflag:$0x1], $0x80, v3, vm0, $0xb8;
	[tilespmem:$0xC100] =	vst v63  }
0x6e: {  	_ = 	snop  }
0x6f: {  	[hbm4b:s5+s2] =	stream.indirect_vreg.scatter [tilespmem:s0], [sflag:$0x1], $0x80, v3, vm0, $0xb8;
	[tilespmem:$0xC100] =	vst v63  }
0x70: {  	v3 =	vld [tilespmem:$0xC080];
	_ =	sdelay $0x4  }
0x71: {  	v60 =	vshrl.u32 v3, $0x3  }
0x72: {  	v4 =	vmul.u32 $0x30, v60  }
0x73: {  	v3 =	vand.u32 $0x7, v3  }
0x74: {  	v3 =	vor.u32 v3, v4  }
0x75: {  	v4 =	vperm.xlane v3, v0;
	_ =	sdelay $0x1  }
0x76: {  	v4 =	vadd.s32 v1, v4;
	_ =	sdelay $0x3  }
0x77: {  	v3 =	vperm.xlane v3, v2  }
0x78: {  	[hbm4b:s3+s2] =	stream.indirect_vreg.scatter [tilespmem:s2], [sflag:$0x2], $0x80, v4, vm0, $0xb8;
	[tilespmem:$0xC100] =	vst v63  }
0x79: {  	v3 =	vadd.s32 v1, v3  }
0x7a: {  	[hbm4b:s4+s2] =	stream.indirect_vreg.scatter [tilespmem:s10], [sflag:$0x2], $0x80, v4, vm0, $0xb8;
	[tilespmem:$0xC100] =	vst v63  }
0x7b: {  	_ = 	snop  }
0x7c: {  	[hbm4b:s5+s2] =	stream.indirect_vreg.scatter [tilespmem:s11], [sflag:$0x2], $0x80, v4, vm0, $0xb8;
	[tilespmem:$0xC100] =	vst v63  }
0x7d: {  	_ = 	snop  }
0x7e: {  	[hbm4b:s3+s2] =	stream.indirect_vreg.scatter [tilespmem:s12], [sflag:$0x2], $0x80, v3, vm0, $0xb8;
	[tilespmem:$0xC100] =	vst v63  }
0x7f: {  	_ = 	snop  }
0x80: {  	[hbm4b:s4+s2] =	stream.indirect_vreg.scatter [tilespmem:s13], [sflag:$0x2], $0x80, v3, vm0, $0xb8;
	[tilespmem:$0xC100] =	vst v63  }
0x81: {  	_ = 	snop  }
0x82: {  	[hbm4b:s5+s2] =	stream.indirect_vreg.scatter [tilespmem:s14], [sflag:$0x2], $0x80, v3, vm0, $0xb8;
	[tilespmem:$0xC100] =	vst v63  }
0x83: {  	v3 =	vld [tilespmem:$0xC090];
	_ =	sdelay $0x4  }
0x84: {  	v61 =	vshrl.u32 v3, $0x3  }
0x85: {  	v4 =	vmul.u32 $0x30, v61  }
0x86: {  	v3 =	vand.u32 $0x7, v3  }
0x87: {  	v3 =	vor.u32 v3, v4  }
0x88: {  	v4 =	vperm.xlane v3, v0;
	_ =	sdelay $0x1  }
0x89: {  	v4 =	vadd.s32 v1, v4;
	_ =	sdelay $0x3  }
0x8a: {  	v3 =	vperm.xlane v3, v2  }
0x8b: {  	[hbm4b:s3+s2] =	stream.indirect_vreg.scatter [tilespmem:s15], [sflag:$0x2], $0x80, v4, vm0, $0xb8;
	[tilespmem:$0xC100] =	vst v63  }
0x8c: {  	v3 =	vadd.s32 v1, v3  }
0x8d: {  	[hbm4b:s4+s2] =	stream.indirect_vreg.scatter [tilespmem:s16], [sflag:$0x2], $0x80, v4, vm0, $0xb8;
	[tilespmem:$0xC100] =	vst v63  }
0x8e: {  	_ = 	snop  }
0x8f: {  	[hbm4b:s5+s2] =	stream.indirect_vreg.scatter [tilespmem:s17], [sflag:$0x2], $0x80, v4, vm0, $0xb8;
	[tilespmem:$0xC100] =	vst v63  }
0x90: {  	_ = 	snop  }
0x91: {  	[hbm4b:s3+s2] =	stream.indirect_vreg.scatter [tilespmem:s18], [sflag:$0x2], $0x80, v3, vm0, $0xb8;
	[tilespmem:$0xC100] =	vst v63  }
0x92: {  	_ = 	snop  }
0x93: {  	[hbm4b:s4+s2] =	stream.indirect_vreg.scatter [tilespmem:s19], [sflag:$0x2], $0x80, v3, vm0, $0xb8;
	[tilespmem:$0xC100] =	vst v63  }
0x94: {  	_ = 	snop  }
0x95: {  	[hbm4b:s5+s2] =	stream.indirect_vreg.scatter [tilespmem:s20], [sflag:$0x2], $0x80, v3, vm0, $0xb8;
	[tilespmem:$0xC100] =	vst v63  }
0x96: {  	v3 =	vld [tilespmem:$0xC0A0];
	_ =	sdelay $0x4  }
0x97: {  	v62 =	vshrl.u32 v3, $0x3  }
0x98: {  	v4 =	vmul.u32 $0x30, v62  }
0x99: {  	v3 =	vand.u32 $0x7, v3  }
0x9a: {  	v3 =	vor.u32 v3, v4  }
0x9b: {  	v4 =	vperm.xlane v3, v0;
	_ =	sdelay $0x1  }
0x9c: {  	v4 =	vadd.s32 v1, v4;
	_ =	sdelay $0x3  }
0x9d: {  	v3 =	vperm.xlane v3, v2  }
0x9e: {  	[hbm4b:s3+s2] =	stream.indirect_vreg.scatter [tilespmem:s21], [sflag:$0x2], $0x80, v4, vm0, $0xb8;
	[tilespmem:$0xC100] =	vst v63  }
0x9f: {  	v3 =	vadd.s32 v1, v3  }
0xa0: {  	[hbm4b:s4+s2] =	stream.indirect_vreg.scatter [tilespmem:s22], [sflag:$0x2], $0x80, v4, vm0, $0xb8;
	[tilespmem:$0xC100] =	vst v63  }
0xa1: {  	_ = 	snop  }
0xa2: {  	[hbm4b:s5+s2] =	stream.indirect_vreg.scatter [tilespmem:s23], [sflag:$0x2], $0x80, v4, vm0, $0xb8;
	[tilespmem:$0xC100] =	vst v63  }
0xa3: {  	_ = 	snop  }
0xa4: {  	[hbm4b:s3+s2] =	stream.indirect_vreg.scatter [tilespmem:s24], [sflag:$0x2], $0x80, v3, vm0, $0xb8;
	[tilespmem:$0xC100] =	vst v63  }
0xa5: {  	_ = 	snop  }
0xa6: {  	[hbm4b:s4+s2] =	stream.indirect_vreg.scatter [tilespmem:s25], [sflag:$0x2], $0x80, v3, vm0, $0xb8;
	[tilespmem:$0xC100] =	vst v63  }
0xa7: {  	_ = 	snop  }
0xa8: {  	[hbm4b:s5+s2] =	stream.indirect_vreg.scatter [tilespmem:s26], [sflag:$0x2], $0x80, v3, vm0, $0xb8;
	[tilespmem:$0xC100] =	vst v63  }
0xa9: {  	v3 =	vld [tilespmem:$0xC0B0];
	_ =	sdelay $0x4  }
0xaa: {  	v63 =	vshrl.u32 v3, $0x3  }
0xab: {  	v4 =	vmul.u32 $0x30, v63  }
0xac: {  	v3 =	vand.u32 $0x7, v3  }
0xad: {  	v3 =	vor.u32 v3, v4  }
0xae: {  	v4 =	vperm.xlane v3, v0;
	_ =	sdelay $0x1  }
0xaf: {  	v4 =	vadd.s32 v1, v4;
	_ =	sdelay $0x3  }
0xb0: {  	v3 =	vperm.xlane v3, v2  }
0xb1: {  	[hbm4b:s3+s2] =	stream.indirect_vreg.scatter [tilespmem:s28], [sflag:$0x2], $0x80, v4, vm0, $0xb8;
	[tilespmem:$0xC100] =	vst v63  }
0xb2: {  	v3 =	vadd.s32 v1, v3  }
0xb3: {  	[hbm4b:s4+s2] =	stream.indirect_vreg.scatter [tilespmem:s29], [sflag:$0x2], $0x80, v4, vm0, $0xb8;
	[tilespmem:$0xC100] =	vst v63  }
0xb4: {  	_ = 	snop  }
0xb5: {  	[hbm4b:s5+s2] =	stream.indirect_vreg.scatter [tilespmem:s30], [sflag:$0x2], $0x80, v4, vm0, $0xb8;
	[tilespmem:$0xC100] =	vst v63  }
0xb6: {  	_ = 	snop  }
0xb7: {  	[hbm4b:s3+s2] =	stream.indirect_vreg.scatter [tilespmem:s31], [sflag:$0x2], $0x80, v3, vm0, $0xb8;
	[tilespmem:$0xC100] =	vst v63  }
0xb8: {  	_ = 	snop  }
0xb9: {  	[hbm4b:s4+s2] =	stream.indirect_vreg.scatter [tilespmem:s1], [sflag:$0x2], $0x80, v3, vm0, $0xb8;
	[tilespmem:$0xC100] =	vst v63  }
0xba: {  	_ = 	snop  }
0xbb: {  	[hbm4b:s5+s2] =	stream.indirect_vreg.scatter [tilespmem:s0], [sflag:$0x2], $0x80, v3, vm0, $0xb8;
	[tilespmem:$0xC100] =	vst v63  }
0xbc: {  	p0 =	sne.s32 s6, $0x1;
	_ =	swait.ge [sflag:s7], $0xC000  }
.Ltmp0:
0xbd: {  	[sflag:s7] =	ssyncset.done $0x0;
	(pc) =	sbr.rel @p0 .LBB2_1-.Ltmp0, $4  }
0xbe: {  	[sflag:s7] =	ssyncadd.s32 $0xFFFF4000  }
0xbf: {  	_ =	swait.ge [sflag:s8], $0xC000  }
0xc0: {  	[sflag:s8] =	ssyncset.done $0x0  }
0xc1: {  	s6 =	sadd.s32 $0xFFFFFFFF, s6;
	[sflag:s8] =	ssyncadd.s32 $0xFFFF4000  }
0xc2: {  	_ =	sfence.sel $0x180000  }
0xc3: {  	[bflag:$0x0] =	sbarrier.arrive $0xFFFF  }
0xc4: {  	_ =	strace $0x90000047  }
0xc5: {  	s0 =	stileid.u32;
	[bflag:$0x2] =	sbarrier.arrive $0xFFFF  }
0xc6: {  	p0 =	sne.s32 s0, $0x0;
	s0 =	rddreg [dreg:$0x2]  }
0xc7: {  	s0 =	sadd.s32 @!p0 $0x100000, s0  }
0xc8: {  	[sflag:s0] =	ssyncadd.tile.s32 @!p0 $0x1;
	_ =	shalt  }
.Lfunc_end2:
_tile_overlayer_lowered:
.L_overlay_start_2:
0xc9: {  	(tag) =	ssettag $0x2  }
0xca: {  	s0 =	rddreg [dreg:$0x0];
	s2 =	stileid.u32  }
0xcb: {  	s1 =	rddreg [dreg:$0x1];
	p0 =	sne.s32 s2, $0x0  }
0xcc: {  	s3 =	rddreg [dreg:$0x2];
	[bflag:$0x3] =	sbarrier.arrive $0xFFFF;
	s2 =	simm.s32 @!p0 $0x1C04  }
0xcd: {  	[timem:s3], [sflag:s2] =	dma.local @!p0 [hbm:s0], s1  }
0xce: {  	s0 =	simm.s32 @!p0 $0x4  }
0xcf: {  	_ =	swait.ge @!p0 [sflag:s0], s1  }
0xd0: {  	s1 =	ssub.s32 @!p0 $0x0, s1;
	[sflag:s0] =	ssyncset.done @!p0 $0x0  }
0xd1: {  	[sflag:s0] =	ssyncadd.s32 @!p0 s1  }
0xd2: {  	[bflag:$0x3] =	sbarrier.arrive $0xFFFF  }
0xd3: {  	_ =	shalt  }

</sc_bundles>
